<compile_context>
chip_gen: v7x
topology: tpu7x:2x2x1
jax: 0.10.2.dev20260603
libtpu: 0.0.44.dev20260713+nightly
codegen_flags: <defaults>
</compile_context>

<pallas_src>
import functools

import jax
import jax.numpy as jnp
from jax import lax
from jax.experimental import pallas as pl
from jax.experimental.pallas import tpu as pltpu
from jax.experimental.pallas import tpu_sc as plsc

N_NODES = 10000
N_EDGES = 320000
DIM = 128

NC = 2
NS = 16
NW = NC * NS

BATCH = 128
CH = 32
NB_CORE = (128, 32)
TOT_B = NS * (NB_CORE[0] + NB_CORE[1])
E_PAD = TOT_B * BATCH
OUT_PAD = 10240
STRIPE = OUT_PAD // NS


def _linear(h, W, b):
    def mm(h_ref, w_ref, b_ref, o_ref):
        acc = lax.dot_general(h_ref[...], w_ref[...],
                              (((1,), (1,)), ((), ())),
                              preferred_element_type=jnp.float32)
        acc = acc + b_ref[0][None, :]
        o_ref[0] = acc
        o_ref[1] = acc

    b8 = jnp.broadcast_to(b[None, :], (8, DIM))
    return pl.pallas_call(
        mm,
        grid=(10,),
        in_specs=[
            pl.BlockSpec((1000, DIM), lambda i: (i, 0)),
            pl.BlockSpec((DIM, DIM), lambda i: (0, 0)),
            pl.BlockSpec((8, DIM), lambda i: (0, 0)),
        ],
        out_specs=pl.BlockSpec((NC, 1000, DIM), lambda i: (0, i, 0)),
        out_shape=jax.ShapeDtypeStruct((NC, N_NODES, DIM), jnp.float32),
    )(h, W, b8)


def _make_aggregate():
    mesh = plsc.VectorSubcoreMesh(core_axis_name="c", subcore_axis_name="s")

    @functools.partial(
        pl.kernel,
        mesh=mesh,
        out_type=jax.ShapeDtypeStruct((NC, OUT_PAD, DIM), jnp.float32),
        scratch_types=[
            pltpu.VMEM((CH, BATCH), jnp.int32),
            pltpu.VMEM((CH, BATCH), jnp.int32),
            pltpu.VMEM((BATCH, DIM), jnp.float32),
            pltpu.VMEM((BATCH, DIM), jnp.float32),
            pltpu.VMEM_SHARED((OUT_PAD, DIM), jnp.float32),
            pltpu.SemaphoreType.DMA,
            pltpu.SemaphoreType.DMA,
            pltpu.SemaphoreType.DMA,
            pltpu.SemaphoreType.DMA,
        ],
    )
    def agg(h2_hbm, src_hbm, dst_hbm, out_hbm,
            src_v, dst_v, rows_a, rows_b, acc_sh, g_a0, g_a1, g_b0, g_b1):
        c = lax.axis_index("c")
        s = lax.axis_index("s")

        z16 = jnp.zeros((16,), jnp.float32)

        def zrow(i, _):
            for cc in range(DIM // 16):
                rows_a[i, pl.ds(cc * 16, 16)] = z16
            return _

        with jax.named_scope("zinit"):
            lax.fori_loop(0, BATCH, zrow, None)
            row0 = s * STRIPE
            for k in range(STRIPE // BATCH):
                pltpu.sync_copy(rows_a,
                                acc_sh.at[pl.ds(row0 + k * BATCH, BATCH)])
            plsc.subcore_barrier()

        nch = jnp.where(c == 0, NB_CORE[0] // CH, NB_CORE[1] // CH)
        base_b = jnp.where(c == 0, s * NB_CORE[0],
                           NS * NB_CORE[0] + s * NB_CORE[1])

        def chunk_body(kk, _):
            off = base_b + kk * CH
            pltpu.sync_copy(src_hbm.at[pl.ds(off, CH)], src_v)
            pltpu.sync_copy(dst_hbm.at[pl.ds(off, CH)], dst_v)
            def gat(buf, sem0, sem1, b):
                pltpu.async_copy(h2_hbm.at[src_v.at[b, pl.ds(0, 64)]],
                                 buf.at[pl.ds(0, 64)], sem0)
                pltpu.async_copy(h2_hbm.at[src_v.at[b, pl.ds(64, 64)]],
                                 buf.at[pl.ds(64, 64)], sem1)

            def gwait(buf, sem0, sem1, b):
                pltpu.make_async_copy(h2_hbm.at[src_v.at[b, pl.ds(0, 64)]],
                                      buf.at[pl.ds(0, 64)], sem0).wait()
                pltpu.make_async_copy(h2_hbm.at[src_v.at[b, pl.ds(64, 64)]],
                                      buf.at[pl.ds(64, 64)], sem1).wait()

            gat(rows_a, g_a0, g_a1, 0)

            def body(i, __):
                b0 = 2 * i
                bp = jnp.minimum(b0 + 2, CH - 1)
                gwait(rows_a, g_a0, g_a1, b0)
                gat(rows_b, g_b0, g_b1, b0 + 1)
                pltpu.sync_copy(rows_a, acc_sh.at[dst_v.at[b0]], add=True)
                gwait(rows_b, g_b0, g_b1, b0 + 1)
                gat(rows_a, g_a0, g_a1, bp)
                pltpu.sync_copy(rows_b, acc_sh.at[dst_v.at[b0 + 1]], add=True)
                return __

            lax.fori_loop(0, CH // 2, body, None)
            gwait(rows_a, g_a0, g_a1, CH - 1)
            return _

        with jax.named_scope("edges"):
            lax.fori_loop(0, nch, chunk_body, None)
        with jax.named_scope("wb"):
            plsc.subcore_barrier()
            pltpu.sync_copy(acc_sh.at[pl.ds(row0, STRIPE)],
                            out_hbm.at[c, pl.ds(row0, STRIPE)])

    return agg


_aggregate_sc = _make_aggregate()


def _combine(partials):
    def add2(p_ref, o_ref):
        o_ref[...] = p_ref[0] + p_ref[1]

    return pl.pallas_call(
        add2,
        grid=(10,),
        in_specs=[pl.BlockSpec((NC, 1000, DIM), lambda i: (0, i, 0))],
        out_specs=pl.BlockSpec((1000, DIM), lambda i: (i, 0)),
        out_shape=jax.ShapeDtypeStruct((N_NODES, DIM), jnp.float32),
    )(partials)


def kernel(h, edge_index, W, b):
    h2 = _linear(h, W, b)

    dst = edge_index[0].astype(jnp.int32)
    src = edge_index[1].astype(jnp.int32)
    pad = E_PAD - N_EDGES
    src_p = jnp.concatenate([src, jnp.zeros((pad,), jnp.int32)])
    dst_p = jnp.concatenate([dst, jnp.full((pad,), N_NODES, jnp.int32)])
    src_p = src_p.reshape(TOT_B, BATCH)
    dst_p = dst_p.reshape(TOT_B, BATCH)
    core1 = (jnp.arange(TOT_B, dtype=jnp.int32) >= NS * NB_CORE[0])
    src_p = src_p + jnp.where(core1, N_NODES, 0).astype(jnp.int32)[:, None]

    partials = _aggregate_sc(h2.reshape(NC * N_NODES, DIM), src_p, dst_p)
    return _combine(partials)

# --- scband reference (transcript-rebuilt; emitter-appended) ---
"""Pipeline reference for scband-graph-conv-54606214201440 (READ-ONLY COPY).

The authoritative reference and input builder live on the scoring server;
editing this copy changes nothing except your own understanding.
"""

import jax, jax.numpy as jnp
import numpy as np

N_NODES = 10000
N_EDGES = 320000
IN_DIM = 128
OUT_DIM = 128


def setup_inputs(seed: int = 0) -> dict:
    key = jax.random.key(seed)
    k1, k2, k3, k4 = jax.random.split(key, 4)
    h = jax.random.normal(k1, (N_NODES, IN_DIM), dtype=jnp.float32)
    edge_index = jax.random.randint(k2, (2, N_EDGES), 0, N_NODES, dtype=jnp.int64)
    # nn.Linear(in_dim, out_dim) params: W [out_dim, in_dim], b [out_dim]
    bound = 1.0 / np.sqrt(IN_DIM)
    W = jax.random.uniform(k3, (OUT_DIM, IN_DIM), dtype=jnp.float32, minval=-bound, maxval=bound)
    b = jax.random.uniform(k4, (OUT_DIM,), dtype=jnp.float32, minval=-bound, maxval=bound)
    return {"h": h, "edge_index": edge_index, "W": W, "b": b}


def _aggregate(x, edge_index):
    # Equivalent to csr (adjacency) @ x: out[dst] = sum over edges (dst, src) of x[src]
    dst = edge_index[0]
    src = edge_index[1]
    msgs = jnp.take(x, src, axis=0)
    return jax.ops.segment_sum(msgs, dst, num_segments=N_NODES)


def reference(h, edge_index, W, b):
    # out_dim (128) <= in_dim (128): linear first, then aggregate. activation=None.
    h2 = h @ W.T + b
    out = _aggregate(h2, edge_index)
    return out

if __name__ == "__main__":
    import jax
    _d = setup_inputs()
    print(jax.jit(kernel)(*tuple(_d.values())))

</pallas_src>

<mosaic_0001>
#map = affine_map<(d0, d1) -> (0, 0)>
#map1 = affine_map<(d0, d1) -> (0, 0, 0)>
module attributes {stable_mosaic.version = 14 : i64} {
  func.func @agg(%arg0: i32, %arg1: i32, %arg2: memref<20000x128xf32, #tpu.memory_space<hbm>>, %arg3: memref<2560x128xi32, #tpu.memory_space<hbm>>, %arg4: memref<2560x128xi32, #tpu.memory_space<hbm>>, %arg5: memref<2x10240x128xf32, #tpu.memory_space<hbm>>, %arg6: memref<32x128xi32, #tpu.memory_space<vmem>>, %arg7: memref<32x128xi32, #tpu.memory_space<vmem>>, %arg8: memref<128x128xf32, #tpu.memory_space<vmem>>, %arg9: memref<128x128xf32, #tpu.memory_space<vmem>>, %arg10: memref<10240x128xf32, #tpu.memory_space<vmem_shared>>, %arg11: memref<!tpu.dma_semaphore, #tpu.memory_space<semaphore_mem>>, %arg12: memref<!tpu.dma_semaphore, #tpu.memory_space<semaphore_mem>>, %arg13: memref<!tpu.dma_semaphore, #tpu.memory_space<semaphore_mem>>, %arg14: memref<!tpu.dma_semaphore, #tpu.memory_space<semaphore_mem>>) attributes {dimension_semantics = [#tpu.dimension_semantics<core_parallel>, #tpu.dimension_semantics<subcore_parallel>], iteration_bounds = array<i64: 2, 16>, scalar_prefetch = 0 : i64, scratch_operands = 9 : i64, tpu.core_type = #tpu.core_type<sc_vector_subcore>, window_params = [{transform_indices = #map}, {transform_indices = #map}, {transform_indices = #map}, {transform_indices = #map1}]} {
    %broadcast_in_dim3A = arith.constant 0.000000e+00 : f32
    %broadcast_in_dim3A_0 = vector.broadcast %broadcast_in_dim3A : f32 to vector<16xf32>
    "tpu.trace_start"() <{level = 10 : i32, message = "zinit"}> : () -> ()
    %scan3A = arith.constant 0 : i32
    %scan3A_1 = arith.constant 128 : i32
    %scan3A_2 = arith.addi %scan3A, %scan3A_1 : i32
    %scan3A_3 = arith.constant 1 : i32
    scf.for %scan3A_35 = %scan3A to %scan3A_2 step %scan3A_3  : i32 {
      %swap3A = arith.index_cast %scan3A_35 : i32 to index
      %swap3A_36 = arith.constant 0 : index
      %swap3A_37 = tpu.vector_load %arg8[%swap3A, %swap3A_36] {strides = array<i32>} : memref<128x128xf32, #tpu.memory_space<vmem>>, vector<1x16xf32>,
      %swap3A_38 = vector.shape_cast %swap3A_37 : vector<1x16xf32> to vector<16xf32>
      %swap3A_39 = vector.shape_cast %broadcast_in_dim3A_0 : vector<16xf32> to vector<1x16xf32>
      tpu.vector_store %arg8[%swap3A, %swap3A_36], %swap3A_39 {strides = array<i32>} : memref<128x128xf32, #tpu.memory_space<vmem>>, vector<1x16xf32>,
      %swap3A_40 = arith.index_cast %scan3A_35 : i32 to index
      %swap3A_41 = arith.constant 16 : index
      %swap3A_42 = tpu.vector_load %arg8[%swap3A_40, %swap3A_41] {strides = array<i32>} : memref<128x128xf32, #tpu.memory_space<vmem>>, vector<1x16xf32>,
      %swap3A_43 = vector.shape_cast %swap3A_42 : vector<1x16xf32> to vector<16xf32>
      %swap3A_44 = vector.shape_cast %broadcast_in_dim3A_0 : vector<16xf32> to vector<1x16xf32>
      tpu.vector_store %arg8[%swap3A_40, %swap3A_41], %swap3A_44 {strides = array<i32>} : memref<128x128xf32, #tpu.memory_space<vmem>>, vector<1x16xf32>,
      %swap3A_45 = arith.index_cast %scan3A_35 : i32 to index
      %swap3A_46 = arith.constant 32 : index
      %swap3A_47 = tpu.vector_load %arg8[%swap3A_45, %swap3A_46] {strides = array<i32>} : memref<128x128xf32, #tpu.memory_space<vmem>>, vector<1x16xf32>,
      %swap3A_48 = vector.shape_cast %swap3A_47 : vector<1x16xf32> to vector<16xf32>
      %swap3A_49 = vector.shape_cast %broadcast_in_dim3A_0 : vector<16xf32> to vector<1x16xf32>
      tpu.vector_store %arg8[%swap3A_45, %swap3A_46], %swap3A_49 {strides = array<i32>} : memref<128x128xf32, #tpu.memory_space<vmem>>, vector<1x16xf32>,
      %swap3A_50 = arith.index_cast %scan3A_35 : i32 to index
      %swap3A_51 = arith.constant 48 : index
      %swap3A_52 = tpu.vector_load %arg8[%swap3A_50, %swap3A_51] {strides = array<i32>} : memref<128x128xf32, #tpu.memory_space<vmem>>, vector<1x16xf32>,
      %swap3A_53 = vector.shape_cast %swap3A_52 : vector<1x16xf32> to vector<16xf32>
      %swap3A_54 = vector.shape_cast %broadcast_in_dim3A_0 : vector<16xf32> to vector<1x16xf32>
      tpu.vector_store %arg8[%swap3A_50, %swap3A_51], %swap3A_54 {strides = array<i32>} : memref<128x128xf32, #tpu.memory_space<vmem>>, vector<1x16xf32>,
      %swap3A_55 = arith.index_cast %scan3A_35 : i32 to index
      %swap3A_56 = arith.constant 64 : index
      %swap3A_57 = tpu.vector_load %arg8[%swap3A_55, %swap3A_56] {strides = array<i32>} : memref<128x128xf32, #tpu.memory_space<vmem>>, vector<1x16xf32>,
      %swap3A_58 = vector.shape_cast %swap3A_57 : vector<1x16xf32> to vector<16xf32>
      %swap3A_59 = vector.shape_cast %broadcast_in_dim3A_0 : vector<16xf32> to vector<1x16xf32>
      tpu.vector_store %arg8[%swap3A_55, %swap3A_56], %swap3A_59 {strides = array<i32>} : memref<128x128xf32, #tpu.memory_space<vmem>>, vector<1x16xf32>,
      %swap3A_60 = arith.index_cast %scan3A_35 : i32 to index
      %swap3A_61 = arith.constant 80 : index
      %swap3A_62 = tpu.vector_load %arg8[%swap3A_60, %swap3A_61] {strides = array<i32>} : memref<128x128xf32, #tpu.memory_space<vmem>>, vector<1x16xf32>,
      %swap3A_63 = vector.shape_cast %swap3A_62 : vector<1x16xf32> to vector<16xf32>
      %swap3A_64 = vector.shape_cast %broadcast_in_dim3A_0 : vector<16xf32> to vector<1x16xf32>
      tpu.vector_store %arg8[%swap3A_60, %swap3A_61], %swap3A_64 {strides = array<i32>} : memref<128x128xf32, #tpu.memory_space<vmem>>, vector<1x16xf32>,
      %swap3A_65 = arith.index_cast %scan3A_35 : i32 to index
      %swap3A_66 = arith.constant 96 : index
      %swap3A_67 = tpu.vector_load %arg8[%swap3A_65, %swap3A_66] {strides = array<i32>} : memref<128x128xf32, #tpu.memory_space<vmem>>, vector<1x16xf32>,
      %swap3A_68 = vector.shape_cast %swap3A_67 : vector<1x16xf32> to vector<16xf32>
      %swap3A_69 = vector.shape_cast %broadcast_in_dim3A_0 : vector<16xf32> to vector<1x16xf32>
      tpu.vector_store %arg8[%swap3A_65, %swap3A_66], %swap3A_69 {strides = array<i32>} : memref<128x128xf32, #tpu.memory_space<vmem>>, vector<1x16xf32>,
      %swap3A_70 = arith.index_cast %scan3A_35 : i32 to index
      %swap3A_71 = arith.constant 112 : index
      %swap3A_72 = tpu.vector_load %arg8[%swap3A_70, %swap3A_71] {strides = array<i32>} : memref<128x128xf32, #tpu.memory_space<vmem>>, vector<1x16xf32>,
      %swap3A_73 = vector.shape_cast %swap3A_72 : vector<1x16xf32> to vector<16xf32>
      %swap3A_74 = vector.shape_cast %broadcast_in_dim3A_0 : vector<16xf32> to vector<1x16xf32>
      tpu.vector_store %arg8[%swap3A_70, %swap3A_71], %swap3A_74 {strides = array<i32>} : memref<128x128xf32, #tpu.memory_space<vmem>>, vector<1x16xf32>,
    }
    %scan3A_4 = arith.constant 128 : i32
    %mul3A = arith.constant 640 : i32
    %mul3A_5 = arith.muli %arg1, %mul3A : i32
    %add3A = arith.constant 0 : i32
    %add3A_6 = arith.addi %mul3A_5, %add3A : i32
    "tpu.region"() ({
      %run_scoped3A = tpu.sem_alloc : memref<!tpu.dma_semaphore, #tpu.memory_space<semaphore_mem>>
      %dma_start3A = arith.constant 0 : i32
      %dma_start3A_35 = tpu.memref_slice %arg10[%add3A_6, %dma_start3A] : memref<10240x128xf32, #tpu.memory_space<vmem_shared>> -> memref<128x128xf32, #tpu.memory_space<vmem_shared>>
      %dma_start3A_36 = arith.constant 0 : i32
      %dma_start3A_37 = tpu.memref_slice %arg10[%add3A_6, %dma_start3A_36] : memref<10240x128xf32, #tpu.memory_space<vmem_shared>> -> memref<128x128xf32, #tpu.memory_space<vmem_shared>>
      tpu.enqueue_dma source(%arg8 : memref<128x128xf32, #tpu.memory_space<vmem>>) target(%dma_start3A_37 : memref<128x128xf32, #tpu.memory_space<vmem_shared>>) target_semaphore(%run_scoped3A : memref<!tpu.dma_semaphore, #tpu.memory_space<semaphore_mem>>)
      %dma_wait3A = arith.constant 0 : i32
      %dma_wait3A_38 = tpu.memref_slice %arg10[%add3A_6, %dma_wait3A] : memref<10240x128xf32, #tpu.memory_space<vmem_shared>> -> memref<128x128xf32, #tpu.memory_space<vmem_shared>>
      %dma_wait3A_39 = arith.constant 0 : i32
      %dma_wait3A_40 = tpu.memref_slice %arg10[%add3A_6, %dma_wait3A_39] : memref<10240x128xf32, #tpu.memory_space<vmem_shared>> -> memref<128x128xf32, #tpu.memory_space<vmem_shared>>
      tpu.wait_dma2 semaphore(%run_scoped3A : memref<!tpu.dma_semaphore, #tpu.memory_space<semaphore_mem>>) src(%arg8 : memref<128x128xf32, #tpu.memory_space<vmem>>) dst(%dma_wait3A_40 : memref<128x128xf32, #tpu.memory_space<vmem_shared>>)
      tpu.yield
    }) : () -> ()
    %add3A_7 = arith.constant 128 : i32
    %add3A_8 = arith.addi %mul3A_5, %add3A_7 : i32
    "tpu.region"() ({
      %run_scoped3A = tpu.sem_alloc : memref<!tpu.dma_semaphore, #tpu.memory_space<semaphore_mem>>
      %dma_start3A = arith.constant 0 : i32
      %dma_start3A_35 = tpu.memref_slice %arg10[%add3A_8, %dma_start3A] : memref<10240x128xf32, #tpu.memory_space<vmem_shared>> -> memref<128x128xf32, #tpu.memory_space<vmem_shared>>
      %dma_start3A_36 = arith.constant 0 : i32
      %dma_start3A_37 = tpu.memref_slice %arg10[%add3A_8, %dma_start3A_36] : memref<10240x128xf32, #tpu.memory_space<vmem_shared>> -> memref<128x128xf32, #tpu.memory_space<vmem_shared>>
      tpu.enqueue_dma source(%arg8 : memref<128x128xf32, #tpu.memory_space<vmem>>) target(%dma_start3A_37 : memref<128x128xf32, #tpu.memory_space<vmem_shared>>) target_semaphore(%run_scoped3A : memref<!tpu.dma_semaphore, #tpu.memory_space<semaphore_mem>>)
      %dma_wait3A = arith.constant 0 : i32
      %dma_wait3A_38 = tpu.memref_slice %arg10[%add3A_8, %dma_wait3A] : memref<10240x128xf32, #tpu.memory_space<vmem_shared>> -> memref<128x128xf32, #tpu.memory_space<vmem_shared>>
      %dma_wait3A_39 = arith.constant 0 : i32
      %dma_wait3A_40 = tpu.memref_slice %arg10[%add3A_8, %dma_wait3A_39] : memref<10240x128xf32, #tpu.memory_space<vmem_shared>> -> memref<128x128xf32, #tpu.memory_space<vmem_shared>>
      tpu.wait_dma2 semaphore(%run_scoped3A : memref<!tpu.dma_semaphore, #tpu.memory_space<semaphore_mem>>) src(%arg8 : memref<128x128xf32, #tpu.memory_space<vmem>>) dst(%dma_wait3A_40 : memref<128x128xf32, #tpu.memory_space<vmem_shared>>)
      tpu.yield
    }) : () -> ()
    %add3A_9 = arith.constant 256 : i32
    %add3A_10 = arith.addi %mul3A_5, %add3A_9 : i32
    "tpu.region"() ({
      %run_scoped3A = tpu.sem_alloc : memref<!tpu.dma_semaphore, #tpu.memory_space<semaphore_mem>>
      %dma_start3A = arith.constant 0 : i32
      %dma_start3A_35 = tpu.memref_slice %arg10[%add3A_10, %dma_start3A] : memref<10240x128xf32, #tpu.memory_space<vmem_shared>> -> memref<128x128xf32, #tpu.memory_space<vmem_shared>>
      %dma_start3A_36 = arith.constant 0 : i32
      %dma_start3A_37 = tpu.memref_slice %arg10[%add3A_10, %dma_start3A_36] : memref<10240x128xf32, #tpu.memory_space<vmem_shared>> -> memref<128x128xf32, #tpu.memory_space<vmem_shared>>
      tpu.enqueue_dma source(%arg8 : memref<128x128xf32, #tpu.memory_space<vmem>>) target(%dma_start3A_37 : memref<128x128xf32, #tpu.memory_space<vmem_shared>>) target_semaphore(%run_scoped3A : memref<!tpu.dma_semaphore, #tpu.memory_space<semaphore_mem>>)
      %dma_wait3A = arith.constant 0 : i32
      %dma_wait3A_38 = tpu.memref_slice %arg10[%add3A_10, %dma_wait3A] : memref<10240x128xf32, #tpu.memory_space<vmem_shared>> -> memref<128x128xf32, #tpu.memory_space<vmem_shared>>
      %dma_wait3A_39 = arith.constant 0 : i32
      %dma_wait3A_40 = tpu.memref_slice %arg10[%add3A_10, %dma_wait3A_39] : memref<10240x128xf32, #tpu.memory_space<vmem_shared>> -> memref<128x128xf32, #tpu.memory_space<vmem_shared>>
      tpu.wait_dma2 semaphore(%run_scoped3A : memref<!tpu.dma_semaphore, #tpu.memory_space<semaphore_mem>>) src(%arg8 : memref<128x128xf32, #tpu.memory_space<vmem>>) dst(%dma_wait3A_40 : memref<128x128xf32, #tpu.memory_space<vmem_shared>>)
      tpu.yield
    }) : () -> ()
    %add3A_11 = arith.constant 384 : i32
    %add3A_12 = arith.addi %mul3A_5, %add3A_11 : i32
    "tpu.region"() ({
      %run_scoped3A = tpu.sem_alloc : memref<!tpu.dma_semaphore, #tpu.memory_space<semaphore_mem>>
      %dma_start3A = arith.constant 0 : i32
      %dma_start3A_35 = tpu.memref_slice %arg10[%add3A_12, %dma_start3A] : memref<10240x128xf32, #tpu.memory_space<vmem_shared>> -> memref<128x128xf32, #tpu.memory_space<vmem_shared>>
      %dma_start3A_36 = arith.constant 0 : i32
      %dma_start3A_37 = tpu.memref_slice %arg10[%add3A_12, %dma_start3A_36] : memref<10240x128xf32, #tpu.memory_space<vmem_shared>> -> memref<128x128xf32, #tpu.memory_space<vmem_shared>>
      tpu.enqueue_dma source(%arg8 : memref<128x128xf32, #tpu.memory_space<vmem>>) target(%dma_start3A_37 : memref<128x128xf32, #tpu.memory_space<vmem_shared>>) target_semaphore(%run_scoped3A : memref<!tpu.dma_semaphore, #tpu.memory_space<semaphore_mem>>)
      %dma_wait3A = arith.constant 0 : i32
      %dma_wait3A_38 = tpu.memref_slice %arg10[%add3A_12, %dma_wait3A] : memref<10240x128xf32, #tpu.memory_space<vmem_shared>> -> memref<128x128xf32, #tpu.memory_space<vmem_shared>>
      %dma_wait3A_39 = arith.constant 0 : i32
      %dma_wait3A_40 = tpu.memref_slice %arg10[%add3A_12, %dma_wait3A_39] : memref<10240x128xf32, #tpu.memory_space<vmem_shared>> -> memref<128x128xf32, #tpu.memory_space<vmem_shared>>
      tpu.wait_dma2 semaphore(%run_scoped3A : memref<!tpu.dma_semaphore, #tpu.memory_space<semaphore_mem>>) src(%arg8 : memref<128x128xf32, #tpu.memory_space<vmem>>) dst(%dma_wait3A_40 : memref<128x128xf32, #tpu.memory_space<vmem_shared>>)
      tpu.yield
    }) : () -> ()
    %add3A_13 = arith.constant 512 : i32
    %add3A_14 = arith.addi %mul3A_5, %add3A_13 : i32
    "tpu.region"() ({
      %run_scoped3A = tpu.sem_alloc : memref<!tpu.dma_semaphore, #tpu.memory_space<semaphore_mem>>
      %dma_start3A = arith.constant 0 : i32
      %dma_start3A_35 = tpu.memref_slice %arg10[%add3A_14, %dma_start3A] : memref<10240x128xf32, #tpu.memory_space<vmem_shared>> -> memref<128x128xf32, #tpu.memory_space<vmem_shared>>
      %dma_start3A_36 = arith.constant 0 : i32
      %dma_start3A_37 = tpu.memref_slice %arg10[%add3A_14, %dma_start3A_36] : memref<10240x128xf32, #tpu.memory_space<vmem_shared>> -> memref<128x128xf32, #tpu.memory_space<vmem_shared>>
      tpu.enqueue_dma source(%arg8 : memref<128x128xf32, #tpu.memory_space<vmem>>) target(%dma_start3A_37 : memref<128x128xf32, #tpu.memory_space<vmem_shared>>) target_semaphore(%run_scoped3A : memref<!tpu.dma_semaphore, #tpu.memory_space<semaphore_mem>>)
      %dma_wait3A = arith.constant 0 : i32
      %dma_wait3A_38 = tpu.memref_slice %arg10[%add3A_14, %dma_wait3A] : memref<10240x128xf32, #tpu.memory_space<vmem_shared>> -> memref<128x128xf32, #tpu.memory_space<vmem_shared>>
      %dma_wait3A_39 = arith.constant 0 : i32
      %dma_wait3A_40 = tpu.memref_slice %arg10[%add3A_14, %dma_wait3A_39] : memref<10240x128xf32, #tpu.memory_space<vmem_shared>> -> memref<128x128xf32, #tpu.memory_space<vmem_shared>>
      tpu.wait_dma2 semaphore(%run_scoped3A : memref<!tpu.dma_semaphore, #tpu.memory_space<semaphore_mem>>) src(%arg8 : memref<128x128xf32, #tpu.memory_space<vmem>>) dst(%dma_wait3A_40 : memref<128x128xf32, #tpu.memory_space<vmem_shared>>)
      tpu.yield
    }) : () -> ()
    %barrier3A = arith.constant 0 : index
    tpu.barrier barrier_id(%barrier3A)
    %eq3A = arith.constant 0 : i32
    "tpu.trace_stop"() : () -> ()
    %eq3A_15 = arith.cmpi eq, %arg0, %eq3A : i32
    %jit3A = arith.constant 4 : i32
    %jit3A_16 = arith.constant 1 : i32
    %select_n3A = arith.select %eq3A_15, %jit3A, %jit3A_16 : i32
    %eq3A_17 = arith.constant 0 : i32
    %eq3A_18 = arith.cmpi eq, %arg0, %eq3A_17 : i32
    %mul3A_19 = arith.constant 128 : i32
    %mul3A_20 = arith.muli %arg1, %mul3A_19 : i32
    %mul3A_21 = arith.constant 32 : i32
    %mul3A_22 = arith.muli %arg1, %mul3A_21 : i32
    %add3A_23 = arith.constant 2048 : i32
    %add3A_24 = arith.addi %add3A_23, %mul3A_22 : i32
    %select_n3A_25 = arith.select %eq3A_18, %mul3A_20, %add3A_24 : i32
    %while3A = arith.constant 0 : i32
    "tpu.trace_start"() <{level = 10 : i32, message = "edges"}> : () -> ()
    %while3A_26 = arith.subi %select_n3A, %while3A : i32
    %while3A_27 = arith.addi %while3A, %while3A_26 : i32
    %while3A_28 = arith.constant 1 : i32
    %while3A_29 = arith.divsi %while3A_26, %while3A_28 : i32
    %while3A_30 = arith.muli %while3A_29, %while3A_28 : i32
    %while3A_31 = arith.addi %while3A, %while3A_30 : i32
    %while3A_32 = arith.constant 1 : i32
    scf.for %while3A_35 = %while3A to %while3A_31 step %while3A_32  : i32 {
      %mul3A_36 = arith.constant 32 : i32
      %mul3A_37 = arith.muli %while3A_35, %mul3A_36 : i32
      %add3A_38 = arith.addi %select_n3A_25, %mul3A_37 : i32
      "tpu.region"() ({
        %run_scoped3A = tpu.sem_alloc : memref<!tpu.dma_semaphore, #tpu.memory_space<semaphore_mem>>
        %dma_start3A_82 = arith.constant 0 : i32
        %dma_start3A_83 = tpu.memref_slice %arg3[%add3A_38, %dma_start3A_82] : memref<2560x128xi32, #tpu.memory_space<hbm>> -> memref<32x128xi32, #tpu.memory_space<hbm>>
        %dma_start3A_84 = arith.constant 0 : i32
        %dma_start3A_85 = tpu.memref_slice %arg3[%add3A_38, %dma_start3A_84] : memref<2560x128xi32, #tpu.memory_space<hbm>> -> memref<32x128xi32, #tpu.memory_space<hbm>>
        tpu.enqueue_dma source(%dma_start3A_85 : memref<32x128xi32, #tpu.memory_space<hbm>>) target(%arg6 : memref<32x128xi32, #tpu.memory_space<vmem>>) target_semaphore(%run_scoped3A : memref<!tpu.dma_semaphore, #tpu.memory_space<semaphore_mem>>)
        %dma_wait3A_86 = arith.constant 0 : i32
        %dma_wait3A_87 = tpu.memref_slice %arg3[%add3A_38, %dma_wait3A_86] : memref<2560x128xi32, #tpu.memory_space<hbm>> -> memref<32x128xi32, #tpu.memory_space<hbm>>
        %dma_wait3A_88 = arith.constant 0 : i32
        %dma_wait3A_89 = tpu.memref_slice %arg3[%add3A_38, %dma_wait3A_88] : memref<2560x128xi32, #tpu.memory_space<hbm>> -> memref<32x128xi32, #tpu.memory_space<hbm>>
        tpu.wait_dma2 semaphore(%run_scoped3A : memref<!tpu.dma_semaphore, #tpu.memory_space<semaphore_mem>>) src(%dma_wait3A_89 : memref<32x128xi32, #tpu.memory_space<hbm>>) dst(%arg6 : memref<32x128xi32, #tpu.memory_space<vmem>>)
        tpu.yield
      }) : () -> ()
      "tpu.region"() ({
        %run_scoped3A = tpu.sem_alloc : memref<!tpu.dma_semaphore, #tpu.memory_space<semaphore_mem>>
        %dma_start3A_82 = arith.constant 0 : i32
        %dma_start3A_83 = tpu.memref_slice %arg4[%add3A_38, %dma_start3A_82] : memref<2560x128xi32, #tpu.memory_space<hbm>> -> memref<32x128xi32, #tpu.memory_space<hbm>>
        %dma_start3A_84 = arith.constant 0 : i32
        %dma_start3A_85 = tpu.memref_slice %arg4[%add3A_38, %dma_start3A_84] : memref<2560x128xi32, #tpu.memory_space<hbm>> -> memref<32x128xi32, #tpu.memory_space<hbm>>
        tpu.enqueue_dma source(%dma_start3A_85 : memref<32x128xi32, #tpu.memory_space<hbm>>) target(%arg7 : memref<32x128xi32, #tpu.memory_space<vmem>>) target_semaphore(%run_scoped3A : memref<!tpu.dma_semaphore, #tpu.memory_space<semaphore_mem>>)
        %dma_wait3A_86 = arith.constant 0 : i32
        %dma_wait3A_87 = tpu.memref_slice %arg4[%add3A_38, %dma_wait3A_86] : memref<2560x128xi32, #tpu.memory_space<hbm>> -> memref<32x128xi32, #tpu.memory_space<hbm>>
        %dma_wait3A_88 = arith.constant 0 : i32
        %dma_wait3A_89 = tpu.memref_slice %arg4[%add3A_38, %dma_wait3A_88] : memref<2560x128xi32, #tpu.memory_space<hbm>> -> memref<32x128xi32, #tpu.memory_space<hbm>>
        tpu.wait_dma2 semaphore(%run_scoped3A : memref<!tpu.dma_semaphore, #tpu.memory_space<semaphore_mem>>) src(%dma_wait3A_89 : memref<32x128xi32, #tpu.memory_space<hbm>>) dst(%arg7 : memref<32x128xi32, #tpu.memory_space<vmem>>)
        tpu.yield
      }) : () -> ()
      %dma_start3A = arith.constant 0 : i32
      %dma_start3A_39 = arith.constant 0 : i32
      %dma_start3A_40 = arith.constant 0 : i32
      %dma_start3A_41 = tpu.memref_slice %arg8[%dma_start3A_39, %dma_start3A_40] : memref<128x128xf32, #tpu.memory_space<vmem>> -> memref<64x128xf32, #tpu.memory_space<vmem>>
      %dma_start3A_42 = arith.constant 0 : i32
      %dma_start3A_43 = tpu.memref_slice %arg6[%dma_start3A, %dma_start3A_42] : memref<32x128xi32, #tpu.memory_space<vmem>> -> memref<1x64xi32, #tpu.memory_space<vmem>>
      %dma_start3A_44 = tpu.memref_squeeze %dma_start3A_43 : memref<1x64xi32, #tpu.memory_space<vmem>> -> memref<64xi32, #tpu.memory_space<vmem>>
      %dma_start3A_45 = arith.constant 0 : i32
      %dma_start3A_46 = arith.constant 0 : i32
      %dma_start3A_47 = tpu.memref_slice %arg2[%dma_start3A_45, %dma_start3A_46] : memref<20000x128xf32, #tpu.memory_space<hbm>> -> memref<20000x128xf32, #tpu.memory_space<hbm>>
      tpu.enqueue_indirect_dma source(%dma_start3A_47 : memref<20000x128xf32, #tpu.memory_space<hbm>>) target(%dma_start3A_41 : memref<64x128xf32, #tpu.memory_space<vmem>>) offsets(%dma_start3A_44 : memref<64xi32, #tpu.memory_space<vmem>>) semaphore(%arg11 : memref<!tpu.dma_semaphore, #tpu.memory_space<semaphore_mem>>)
      %dma_start3A_48 = arith.constant 0 : i32
      %dma_start3A_49 = arith.constant 64 : i32
      %dma_start3A_50 = arith.constant 0 : i32
      %dma_start3A_51 = tpu.memref_slice %arg8[%dma_start3A_49, %dma_start3A_50] : memref<128x128xf32, #tpu.memory_space<vmem>> -> memref<64x128xf32, #tpu.memory_space<vmem>>
      %dma_start3A_52 = arith.constant 64 : i32
      %dma_start3A_53 = tpu.memref_slice %arg6[%dma_start3A_48, %dma_start3A_52] : memref<32x128xi32, #tpu.memory_space<vmem>> -> memref<1x64xi32, #tpu.memory_space<vmem>>
      %dma_start3A_54 = tpu.memref_squeeze %dma_start3A_53 : memref<1x64xi32, #tpu.memory_space<vmem>> -> memref<64xi32, #tpu.memory_space<vmem>>
      %dma_start3A_55 = arith.constant 0 : i32
      %dma_start3A_56 = arith.constant 0 : i32
      %dma_start3A_57 = tpu.memref_slice %arg2[%dma_start3A_55, %dma_start3A_56] : memref<20000x128xf32, #tpu.memory_space<hbm>> -> memref<20000x128xf32, #tpu.memory_space<hbm>>
      tpu.enqueue_indirect_dma source(%dma_start3A_57 : memref<20000x128xf32, #tpu.memory_space<hbm>>) target(%dma_start3A_51 : memref<64x128xf32, #tpu.memory_space<vmem>>) offsets(%dma_start3A_54 : memref<64xi32, #tpu.memory_space<vmem>>) semaphore(%arg12 : memref<!tpu.dma_semaphore, #tpu.memory_space<semaphore_mem>>)
      %scan3A_58 = arith.constant 0 : i32
      %scan3A_59 = arith.constant 16 : i32
      %scan3A_60 = arith.addi %scan3A_58, %scan3A_59 : i32
      %scan3A_61 = arith.constant 1 : i32
      scf.for %scan3A_82 = %scan3A_58 to %scan3A_60 step %scan3A_61  : i32 {
        %mul3A_83 = arith.constant 2 : i32
        %mul3A_84 = arith.muli %mul3A_83, %scan3A_82 : i32
        %add3A_85 = arith.constant 2 : i32
        %add3A_86 = arith.addi %mul3A_84, %add3A_85 : i32
        %min3A = arith.constant 31 : i32
        %min3A_87 = arith.minsi %add3A_86, %min3A : i32
        %dma_wait3A_88 = arith.constant 0 : i32
        %dma_wait3A_89 = arith.constant 0 : i32
        %dma_wait3A_90 = tpu.memref_slice %arg8[%dma_wait3A_88, %dma_wait3A_89] : memref<128x128xf32, #tpu.memory_space<vmem>> -> memref<64x128xf32, #tpu.memory_space<vmem>>
        %dma_wait3A_91 = arith.constant 0 : i32
        %dma_wait3A_92 = tpu.memref_slice %arg6[%mul3A_84, %dma_wait3A_91] : memref<32x128xi32, #tpu.memory_space<vmem>> -> memref<1x64xi32, #tpu.memory_space<vmem>>
        %dma_wait3A_93 = tpu.memref_squeeze %dma_wait3A_92 : memref<1x64xi32, #tpu.memory_space<vmem>> -> memref<64xi32, #tpu.memory_space<vmem>>
        %dma_wait3A_94 = arith.constant 0 : i32
        %dma_wait3A_95 = arith.constant 0 : i32
        %dma_wait3A_96 = tpu.memref_slice %arg2[%dma_wait3A_94, %dma_wait3A_95] : memref<20000x128xf32, #tpu.memory_space<hbm>> -> memref<20000x128xf32, #tpu.memory_space<hbm>>
        tpu.wait_indirect_dma semaphore(%arg11 : memref<!tpu.dma_semaphore, #tpu.memory_space<semaphore_mem>>) src(%dma_wait3A_96 : memref<20000x128xf32, #tpu.memory_space<hbm>>) dst(%dma_wait3A_90 : memref<64x128xf32, #tpu.memory_space<vmem>>)
        %dma_wait3A_97 = arith.constant 64 : i32
        %dma_wait3A_98 = arith.constant 0 : i32
        %dma_wait3A_99 = tpu.memref_slice %arg8[%dma_wait3A_97, %dma_wait3A_98] : memref<128x128xf32, #tpu.memory_space<vmem>> -> memref<64x128xf32, #tpu.memory_space<vmem>>
        %dma_wait3A_100 = arith.constant 64 : i32
        %dma_wait3A_101 = tpu.memref_slice %arg6[%mul3A_84, %dma_wait3A_100] : memref<32x128xi32, #tpu.memory_space<vmem>> -> memref<1x64xi32, #tpu.memory_space<vmem>>
        %dma_wait3A_102 = tpu.memref_squeeze %dma_wait3A_101 : memref<1x64xi32, #tpu.memory_space<vmem>> -> memref<64xi32, #tpu.memory_space<vmem>>
        %dma_wait3A_103 = arith.constant 0 : i32
        %dma_wait3A_104 = arith.constant 0 : i32
        %dma_wait3A_105 = tpu.memref_slice %arg2[%dma_wait3A_103, %dma_wait3A_104] : memref<20000x128xf32, #tpu.memory_space<hbm>> -> memref<20000x128xf32, #tpu.memory_space<hbm>>
        tpu.wait_indirect_dma semaphore(%arg12 : memref<!tpu.dma_semaphore, #tpu.memory_space<semaphore_mem>>) src(%dma_wait3A_105 : memref<20000x128xf32, #tpu.memory_space<hbm>>) dst(%dma_wait3A_99 : memref<64x128xf32, #tpu.memory_space<vmem>>)
        %add3A_106 = arith.constant 1 : i32
        %add3A_107 = arith.addi %mul3A_84, %add3A_106 : i32
        %dma_start3A_108 = arith.constant 0 : i32
        %dma_start3A_109 = arith.constant 0 : i32
        %dma_start3A_110 = tpu.memref_slice %arg9[%dma_start3A_108, %dma_start3A_109] : memref<128x128xf32, #tpu.memory_space<vmem>> -> memref<64x128xf32, #tpu.memory_space<vmem>>
        %dma_start3A_111 = arith.constant 0 : i32
        %dma_start3A_112 = tpu.memref_slice %arg6[%add3A_107, %dma_start3A_111] : memref<32x128xi32, #tpu.memory_space<vmem>> -> memref<1x64xi32, #tpu.memory_space<vmem>>
        %dma_start3A_113 = tpu.memref_squeeze %dma_start3A_112 : memref<1x64xi32, #tpu.memory_space<vmem>> -> memref<64xi32, #tpu.memory_space<vmem>>
        %dma_start3A_114 = arith.constant 0 : i32
        %dma_start3A_115 = arith.constant 0 : i32
        %dma_start3A_116 = tpu.memref_slice %arg2[%dma_start3A_114, %dma_start3A_115] : memref<20000x128xf32, #tpu.memory_space<hbm>> -> memref<20000x128xf32, #tpu.memory_space<hbm>>
        tpu.enqueue_indirect_dma source(%dma_start3A_116 : memref<20000x128xf32, #tpu.memory_space<hbm>>) target(%dma_start3A_110 : memref<64x128xf32, #tpu.memory_space<vmem>>) offsets(%dma_start3A_113 : memref<64xi32, #tpu.memory_space<vmem>>) semaphore(%arg13 : memref<!tpu.dma_semaphore, #tpu.memory_space<semaphore_mem>>)
        %dma_start3A_117 = arith.constant 64 : i32
        %dma_start3A_118 = arith.constant 0 : i32
        %dma_start3A_119 = tpu.memref_slice %arg9[%dma_start3A_117, %dma_start3A_118] : memref<128x128xf32, #tpu.memory_space<vmem>> -> memref<64x128xf32, #tpu.memory_space<vmem>>
        %dma_start3A_120 = arith.constant 64 : i32
        %dma_start3A_121 = tpu.memref_slice %arg6[%add3A_107, %dma_start3A_120] : memref<32x128xi32, #tpu.memory_space<vmem>> -> memref<1x64xi32, #tpu.memory_space<vmem>>
        %dma_start3A_122 = tpu.memref_squeeze %dma_start3A_121 : memref<1x64xi32, #tpu.memory_space<vmem>> -> memref<64xi32, #tpu.memory_space<vmem>>
        %dma_start3A_123 = arith.constant 0 : i32
        %dma_start3A_124 = arith.constant 0 : i32
        %dma_start3A_125 = tpu.memref_slice %arg2[%dma_start3A_123, %dma_start3A_124] : memref<20000x128xf32, #tpu.memory_space<hbm>> -> memref<20000x128xf32, #tpu.memory_space<hbm>>
        tpu.enqueue_indirect_dma source(%dma_start3A_125 : memref<20000x128xf32, #tpu.memory_space<hbm>>) target(%dma_start3A_119 : memref<64x128xf32, #tpu.memory_space<vmem>>) offsets(%dma_start3A_122 : memref<64xi32, #tpu.memory_space<vmem>>) semaphore(%arg14 : memref<!tpu.dma_semaphore, #tpu.memory_space<semaphore_mem>>)
        "tpu.region"() ({
          %run_scoped3A = tpu.sem_alloc : memref<!tpu.dma_semaphore, #tpu.memory_space<semaphore_mem>>
          %dma_start3A_166 = arith.constant 0 : i32
          %dma_start3A_167 = tpu.memref_slice %arg7[%mul3A_84, %dma_start3A_166] : memref<32x128xi32, #tpu.memory_space<vmem>> -> memref<1x128xi32, #tpu.memory_space<vmem>>
          %dma_start3A_168 = tpu.memref_squeeze %dma_start3A_167 : memref<1x128xi32, #tpu.memory_space<vmem>> -> memref<128xi32, #tpu.memory_space<vmem>>
          %dma_start3A_169 = arith.constant 0 : i32
          %dma_start3A_170 = arith.constant 0 : i32
          %dma_start3A_171 = tpu.memref_slice %arg10[%dma_start3A_169, %dma_start3A_170] : memref<10240x128xf32, #tpu.memory_space<vmem_shared>> -> memref<10240x128xf32, #tpu.memory_space<vmem_shared>>
          tpu.enqueue_indirect_dma source(%arg8 : memref<128x128xf32, #tpu.memory_space<vmem>>) target(%dma_start3A_171 : memref<10240x128xf32, #tpu.memory_space<vmem_shared>>) offsets(%dma_start3A_168 : memref<128xi32, #tpu.memory_space<vmem>>) semaphore(%run_scoped3A : memref<!tpu.dma_semaphore, #tpu.memory_space<semaphore_mem>>) {add = true}
          %dma_wait3A_172 = arith.constant 0 : i32
          %dma_wait3A_173 = tpu.memref_slice %arg7[%mul3A_84, %dma_wait3A_172] : memref<32x128xi32, #tpu.memory_space<vmem>> -> memref<1x128xi32, #tpu.memory_space<vmem>>
          %dma_wait3A_174 = tpu.memref_squeeze %dma_wait3A_173 : memref<1x128xi32, #tpu.memory_space<vmem>> -> memref<128xi32, #tpu.memory_space<vmem>>
          %dma_wait3A_175 = arith.constant 0 : i32
          %dma_wait3A_176 = arith.constant 0 : i32
          %dma_wait3A_177 = tpu.memref_slice %arg10[%dma_wait3A_175, %dma_wait3A_176] : memref<10240x128xf32, #tpu.memory_space<vmem_shared>> -> memref<10240x128xf32, #tpu.memory_space<vmem_shared>>
          tpu.wait_indirect_dma semaphore(%run_scoped3A : memref<!tpu.dma_semaphore, #tpu.memory_space<semaphore_mem>>) src(%arg8 : memref<128x128xf32, #tpu.memory_space<vmem>>) dst(%dma_wait3A_177 : memref<10240x128xf32, #tpu.memory_space<vmem_shared>>)
          tpu.yield
        }) : () -> ()
        %add3A_126 = arith.constant 1 : i32
        %add3A_127 = arith.addi %mul3A_84, %add3A_126 : i32
        %dma_wait3A_128 = arith.constant 0 : i32
        %dma_wait3A_129 = arith.constant 0 : i32
        %dma_wait3A_130 = tpu.memref_slice %arg9[%dma_wait3A_128, %dma_wait3A_129] : memref<128x128xf32, #tpu.memory_space<vmem>> -> memref<64x128xf32, #tpu.memory_space<vmem>>
        %dma_wait3A_131 = arith.constant 0 : i32
        %dma_wait3A_132 = tpu.memref_slice %arg6[%add3A_127, %dma_wait3A_131] : memref<32x128xi32, #tpu.memory_space<vmem>> -> memref<1x64xi32, #tpu.memory_space<vmem>>
        %dma_wait3A_133 = tpu.memref_squeeze %dma_wait3A_132 : memref<1x64xi32, #tpu.memory_space<vmem>> -> memref<64xi32, #tpu.memory_space<vmem>>
        %dma_wait3A_134 = arith.constant 0 : i32
        %dma_wait3A_135 = arith.constant 0 : i32
        %dma_wait3A_136 = tpu.memref_slice %arg2[%dma_wait3A_134, %dma_wait3A_135] : memref<20000x128xf32, #tpu.memory_space<hbm>> -> memref<20000x128xf32, #tpu.memory_space<hbm>>
        tpu.wait_indirect_dma semaphore(%arg13 : memref<!tpu.dma_semaphore, #tpu.memory_space<semaphore_mem>>) src(%dma_wait3A_136 : memref<20000x128xf32, #tpu.memory_space<hbm>>) dst(%dma_wait3A_130 : memref<64x128xf32, #tpu.memory_space<vmem>>)
        %dma_wait3A_137 = arith.constant 64 : i32
        %dma_wait3A_138 = arith.constant 0 : i32
        %dma_wait3A_139 = tpu.memref_slice %arg9[%dma_wait3A_137, %dma_wait3A_138] : memref<128x128xf32, #tpu.memory_space<vmem>> -> memref<64x128xf32, #tpu.memory_space<vmem>>
        %dma_wait3A_140 = arith.constant 64 : i32
        %dma_wait3A_141 = tpu.memref_slice %arg6[%add3A_127, %dma_wait3A_140] : memref<32x128xi32, #tpu.memory_space<vmem>> -> memref<1x64xi32, #tpu.memory_space<vmem>>
        %dma_wait3A_142 = tpu.memref_squeeze %dma_wait3A_141 : memref<1x64xi32, #tpu.memory_space<vmem>> -> memref<64xi32, #tpu.memory_space<vmem>>
        %dma_wait3A_143 = arith.constant 0 : i32
        %dma_wait3A_144 = arith.constant 0 : i32
        %dma_wait3A_145 = tpu.memref_slice %arg2[%dma_wait3A_143, %dma_wait3A_144] : memref<20000x128xf32, #tpu.memory_space<hbm>> -> memref<20000x128xf32, #tpu.memory_space<hbm>>
        tpu.wait_indirect_dma semaphore(%arg14 : memref<!tpu.dma_semaphore, #tpu.memory_space<semaphore_mem>>) src(%dma_wait3A_145 : memref<20000x128xf32, #tpu.memory_space<hbm>>) dst(%dma_wait3A_139 : memref<64x128xf32, #tpu.memory_space<vmem>>)
        %dma_start3A_146 = arith.constant 0 : i32
        %dma_start3A_147 = arith.constant 0 : i32
        %dma_start3A_148 = tpu.memref_slice %arg8[%dma_start3A_146, %dma_start3A_147] : memref<128x128xf32, #tpu.memory_space<vmem>> -> memref<64x128xf32, #tpu.memory_space<vmem>>
        %dma_start3A_149 = arith.constant 0 : i32
        %dma_start3A_150 = tpu.memref_slice %arg6[%min3A_87, %dma_start3A_149] : memref<32x128xi32, #tpu.memory_space<vmem>> -> memref<1x64xi32, #tpu.memory_space<vmem>>
        %dma_start3A_151 = tpu.memref_squeeze %dma_start3A_150 : memref<1x64xi32, #tpu.memory_space<vmem>> -> memref<64xi32, #tpu.memory_space<vmem>>
        %dma_start3A_152 = arith.constant 0 : i32
        %dma_start3A_153 = arith.constant 0 : i32
        %dma_start3A_154 = tpu.memref_slice %arg2[%dma_start3A_152, %dma_start3A_153] : memref<20000x128xf32, #tpu.memory_space<hbm>> -> memref<20000x128xf32, #tpu.memory_space<hbm>>
        tpu.enqueue_indirect_dma source(%dma_start3A_154 : memref<20000x128xf32, #tpu.memory_space<hbm>>) target(%dma_start3A_148 : memref<64x128xf32, #tpu.memory_space<vmem>>) offsets(%dma_start3A_151 : memref<64xi32, #tpu.memory_space<vmem>>) semaphore(%arg11 : memref<!tpu.dma_semaphore, #tpu.memory_space<semaphore_mem>>)
        %dma_start3A_155 = arith.constant 64 : i32
        %dma_start3A_156 = arith.constant 0 : i32
        %dma_start3A_157 = tpu.memref_slice %arg8[%dma_start3A_155, %dma_start3A_156] : memref<128x128xf32, #tpu.memory_space<vmem>> -> memref<64x128xf32, #tpu.memory_space<vmem>>
        %dma_start3A_158 = arith.constant 64 : i32
        %dma_start3A_159 = tpu.memref_slice %arg6[%min3A_87, %dma_start3A_158] : memref<32x128xi32, #tpu.memory_space<vmem>> -> memref<1x64xi32, #tpu.memory_space<vmem>>
        %dma_start3A_160 = tpu.memref_squeeze %dma_start3A_159 : memref<1x64xi32, #tpu.memory_space<vmem>> -> memref<64xi32, #tpu.memory_space<vmem>>
        %dma_start3A_161 = arith.constant 0 : i32
        %dma_start3A_162 = arith.constant 0 : i32
        %dma_start3A_163 = tpu.memref_slice %arg2[%dma_start3A_161, %dma_start3A_162] : memref<20000x128xf32, #tpu.memory_space<hbm>> -> memref<20000x128xf32, #tpu.memory_space<hbm>>
        tpu.enqueue_indirect_dma source(%dma_start3A_163 : memref<20000x128xf32, #tpu.memory_space<hbm>>) target(%dma_start3A_157 : memref<64x128xf32, #tpu.memory_space<vmem>>) offsets(%dma_start3A_160 : memref<64xi32, #tpu.memory_space<vmem>>) semaphore(%arg12 : memref<!tpu.dma_semaphore, #tpu.memory_space<semaphore_mem>>)
        %add3A_164 = arith.constant 1 : i32
        %add3A_165 = arith.addi %mul3A_84, %add3A_164 : i32
        "tpu.region"() ({
          %run_scoped3A = tpu.sem_alloc : memref<!tpu.dma_semaphore, #tpu.memory_space<semaphore_mem>>
          %dma_start3A_166 = arith.constant 0 : i32
          %dma_start3A_167 = tpu.memref_slice %arg7[%add3A_165, %dma_start3A_166] : memref<32x128xi32, #tpu.memory_space<vmem>> -> memref<1x128xi32, #tpu.memory_space<vmem>>
          %dma_start3A_168 = tpu.memref_squeeze %dma_start3A_167 : memref<1x128xi32, #tpu.memory_space<vmem>> -> memref<128xi32, #tpu.memory_space<vmem>>
          %dma_start3A_169 = arith.constant 0 : i32
          %dma_start3A_170 = arith.constant 0 : i32
          %dma_start3A_171 = tpu.memref_slice %arg10[%dma_start3A_169, %dma_start3A_170] : memref<10240x128xf32, #tpu.memory_space<vmem_shared>> -> memref<10240x128xf32, #tpu.memory_space<vmem_shared>>
          tpu.enqueue_indirect_dma source(%arg9 : memref<128x128xf32, #tpu.memory_space<vmem>>) target(%dma_start3A_171 : memref<10240x128xf32, #tpu.memory_space<vmem_shared>>) offsets(%dma_start3A_168 : memref<128xi32, #tpu.memory_space<vmem>>) semaphore(%run_scoped3A : memref<!tpu.dma_semaphore, #tpu.memory_space<semaphore_mem>>) {add = true}
          %dma_wait3A_172 = arith.constant 0 : i32
          %dma_wait3A_173 = tpu.memref_slice %arg7[%add3A_165, %dma_wait3A_172] : memref<32x128xi32, #tpu.memory_space<vmem>> -> memref<1x128xi32, #tpu.memory_space<vmem>>
          %dma_wait3A_174 = tpu.memref_squeeze %dma_wait3A_173 : memref<1x128xi32, #tpu.memory_space<vmem>> -> memref<128xi32, #tpu.memory_space<vmem>>
          %dma_wait3A_175 = arith.constant 0 : i32
          %dma_wait3A_176 = arith.constant 0 : i32
          %dma_wait3A_177 = tpu.memref_slice %arg10[%dma_wait3A_175, %dma_wait3A_176] : memref<10240x128xf32, #tpu.memory_space<vmem_shared>> -> memref<10240x128xf32, #tpu.memory_space<vmem_shared>>
          tpu.wait_indirect_dma semaphore(%run_scoped3A : memref<!tpu.dma_semaphore, #tpu.memory_space<semaphore_mem>>) src(%arg9 : memref<128x128xf32, #tpu.memory_space<vmem>>) dst(%dma_wait3A_177 : memref<10240x128xf32, #tpu.memory_space<vmem_shared>>)
          tpu.yield
        }) : () -> ()
      }
      %scan3A_62 = arith.constant 16 : i32
      %dma_wait3A = arith.constant 31 : i32
      %dma_wait3A_63 = arith.constant 0 : i32
      %dma_wait3A_64 = arith.constant 0 : i32
      %dma_wait3A_65 = tpu.memref_slice %arg8[%dma_wait3A_63, %dma_wait3A_64] : memref<128x128xf32, #tpu.memory_space<vmem>> -> memref<64x128xf32, #tpu.memory_space<vmem>>
      %dma_wait3A_66 = arith.constant 0 : i32
      %dma_wait3A_67 = tpu.memref_slice %arg6[%dma_wait3A, %dma_wait3A_66] : memref<32x128xi32, #tpu.memory_space<vmem>> -> memref<1x64xi32, #tpu.memory_space<vmem>>
      %dma_wait3A_68 = tpu.memref_squeeze %dma_wait3A_67 : memref<1x64xi32, #tpu.memory_space<vmem>> -> memref<64xi32, #tpu.memory_space<vmem>>
      %dma_wait3A_69 = arith.constant 0 : i32
      %dma_wait3A_70 = arith.constant 0 : i32
      %dma_wait3A_71 = tpu.memref_slice %arg2[%dma_wait3A_69, %dma_wait3A_70] : memref<20000x128xf32, #tpu.memory_space<hbm>> -> memref<20000x128xf32, #tpu.memory_space<hbm>>
      tpu.wait_indirect_dma semaphore(%arg11 : memref<!tpu.dma_semaphore, #tpu.memory_space<semaphore_mem>>) src(%dma_wait3A_71 : memref<20000x128xf32, #tpu.memory_space<hbm>>) dst(%dma_wait3A_65 : memref<64x128xf32, #tpu.memory_space<vmem>>)
      %dma_wait3A_72 = arith.constant 31 : i32
      %dma_wait3A_73 = arith.constant 64 : i32
      %dma_wait3A_74 = arith.constant 0 : i32
      %dma_wait3A_75 = tpu.memref_slice %arg8[%dma_wait3A_73, %dma_wait3A_74] : memref<128x128xf32, #tpu.memory_space<vmem>> -> memref<64x128xf32, #tpu.memory_space<vmem>>
      %dma_wait3A_76 = arith.constant 64 : i32
      %dma_wait3A_77 = tpu.memref_slice %arg6[%dma_wait3A_72, %dma_wait3A_76] : memref<32x128xi32, #tpu.memory_space<vmem>> -> memref<1x64xi32, #tpu.memory_space<vmem>>
      %dma_wait3A_78 = tpu.memref_squeeze %dma_wait3A_77 : memref<1x64xi32, #tpu.memory_space<vmem>> -> memref<64xi32, #tpu.memory_space<vmem>>
      %dma_wait3A_79 = arith.constant 0 : i32
      %dma_wait3A_80 = arith.constant 0 : i32
      %dma_wait3A_81 = tpu.memref_slice %arg2[%dma_wait3A_79, %dma_wait3A_80] : memref<20000x128xf32, #tpu.memory_space<hbm>> -> memref<20000x128xf32, #tpu.memory_space<hbm>>
      tpu.wait_indirect_dma semaphore(%arg12 : memref<!tpu.dma_semaphore, #tpu.memory_space<semaphore_mem>>) src(%dma_wait3A_81 : memref<20000x128xf32, #tpu.memory_space<hbm>>) dst(%dma_wait3A_75 : memref<64x128xf32, #tpu.memory_space<vmem>>)
    }
    %while3A_33 = arith.constant 1 : i32
    scf.for %while3A_35 = %while3A_31 to %while3A_27 step %while3A_33  : i32 {
      %mul3A_36 = arith.constant 32 : i32
      %mul3A_37 = arith.muli %while3A_35, %mul3A_36 : i32
      %add3A_38 = arith.addi %select_n3A_25, %mul3A_37 : i32
      "tpu.region"() ({
        %run_scoped3A = tpu.sem_alloc : memref<!tpu.dma_semaphore, #tpu.memory_space<semaphore_mem>>
        %dma_start3A_82 = arith.constant 0 : i32
        %dma_start3A_83 = tpu.memref_slice %arg3[%add3A_38, %dma_start3A_82] : memref<2560x128xi32, #tpu.memory_space<hbm>> -> memref<32x128xi32, #tpu.memory_space<hbm>>
        %dma_start3A_84 = arith.constant 0 : i32
        %dma_start3A_85 = tpu.memref_slice %arg3[%add3A_38, %dma_start3A_84] : memref<2560x128xi32, #tpu.memory_space<hbm>> -> memref<32x128xi32, #tpu.memory_space<hbm>>
        tpu.enqueue_dma source(%dma_start3A_85 : memref<32x128xi32, #tpu.memory_space<hbm>>) target(%arg6 : memref<32x128xi32, #tpu.memory_space<vmem>>) target_semaphore(%run_scoped3A : memref<!tpu.dma_semaphore, #tpu.memory_space<semaphore_mem>>)
        %dma_wait3A_86 = arith.constant 0 : i32
        %dma_wait3A_87 = tpu.memref_slice %arg3[%add3A_38, %dma_wait3A_86] : memref<2560x128xi32, #tpu.memory_space<hbm>> -> memref<32x128xi32, #tpu.memory_space<hbm>>
        %dma_wait3A_88 = arith.constant 0 : i32
        %dma_wait3A_89 = tpu.memref_slice %arg3[%add3A_38, %dma_wait3A_88] : memref<2560x128xi32, #tpu.memory_space<hbm>> -> memref<32x128xi32, #tpu.memory_space<hbm>>
        tpu.wait_dma2 semaphore(%run_scoped3A : memref<!tpu.dma_semaphore, #tpu.memory_space<semaphore_mem>>) src(%dma_wait3A_89 : memref<32x128xi32, #tpu.memory_space<hbm>>) dst(%arg6 : memref<32x128xi32, #tpu.memory_space<vmem>>)
        tpu.yield
      }) : () -> ()
      "tpu.region"() ({
        %run_scoped3A = tpu.sem_alloc : memref<!tpu.dma_semaphore, #tpu.memory_space<semaphore_mem>>
        %dma_start3A_82 = arith.constant 0 : i32
        %dma_start3A_83 = tpu.memref_slice %arg4[%add3A_38, %dma_start3A_82] : memref<2560x128xi32, #tpu.memory_space<hbm>> -> memref<32x128xi32, #tpu.memory_space<hbm>>
        %dma_start3A_84 = arith.constant 0 : i32
        %dma_start3A_85 = tpu.memref_slice %arg4[%add3A_38, %dma_start3A_84] : memref<2560x128xi32, #tpu.memory_space<hbm>> -> memref<32x128xi32, #tpu.memory_space<hbm>>
        tpu.enqueue_dma source(%dma_start3A_85 : memref<32x128xi32, #tpu.memory_space<hbm>>) target(%arg7 : memref<32x128xi32, #tpu.memory_space<vmem>>) target_semaphore(%run_scoped3A : memref<!tpu.dma_semaphore, #tpu.memory_space<semaphore_mem>>)
        %dma_wait3A_86 = arith.constant 0 : i32
        %dma_wait3A_87 = tpu.memref_slice %arg4[%add3A_38, %dma_wait3A_86] : memref<2560x128xi32, #tpu.memory_space<hbm>> -> memref<32x128xi32, #tpu.memory_space<hbm>>
        %dma_wait3A_88 = arith.constant 0 : i32
        %dma_wait3A_89 = tpu.memref_slice %arg4[%add3A_38, %dma_wait3A_88] : memref<2560x128xi32, #tpu.memory_space<hbm>> -> memref<32x128xi32, #tpu.memory_space<hbm>>
        tpu.wait_dma2 semaphore(%run_scoped3A : memref<!tpu.dma_semaphore, #tpu.memory_space<semaphore_mem>>) src(%dma_wait3A_89 : memref<32x128xi32, #tpu.memory_space<hbm>>) dst(%arg7 : memref<32x128xi32, #tpu.memory_space<vmem>>)
        tpu.yield
      }) : () -> ()
      %dma_start3A = arith.constant 0 : i32
      %dma_start3A_39 = arith.constant 0 : i32
      %dma_start3A_40 = arith.constant 0 : i32
      %dma_start3A_41 = tpu.memref_slice %arg8[%dma_start3A_39, %dma_start3A_40] : memref<128x128xf32, #tpu.memory_space<vmem>> -> memref<64x128xf32, #tpu.memory_space<vmem>>
      %dma_start3A_42 = arith.constant 0 : i32
      %dma_start3A_43 = tpu.memref_slice %arg6[%dma_start3A, %dma_start3A_42] : memref<32x128xi32, #tpu.memory_space<vmem>> -> memref<1x64xi32, #tpu.memory_space<vmem>>
      %dma_start3A_44 = tpu.memref_squeeze %dma_start3A_43 : memref<1x64xi32, #tpu.memory_space<vmem>> -> memref<64xi32, #tpu.memory_space<vmem>>
      %dma_start3A_45 = arith.constant 0 : i32
      %dma_start3A_46 = arith.constant 0 : i32
      %dma_start3A_47 = tpu.memref_slice %arg2[%dma_start3A_45, %dma_start3A_46] : memref<20000x128xf32, #tpu.memory_space<hbm>> -> memref<20000x128xf32, #tpu.memory_space<hbm>>
      tpu.enqueue_indirect_dma source(%dma_start3A_47 : memref<20000x128xf32, #tpu.memory_space<hbm>>) target(%dma_start3A_41 : memref<64x128xf32, #tpu.memory_space<vmem>>) offsets(%dma_start3A_44 : memref<64xi32, #tpu.memory_space<vmem>>) semaphore(%arg11 : memref<!tpu.dma_semaphore, #tpu.memory_space<semaphore_mem>>)
      %dma_start3A_48 = arith.constant 0 : i32
      %dma_start3A_49 = arith.constant 64 : i32
      %dma_start3A_50 = arith.constant 0 : i32
      %dma_start3A_51 = tpu.memref_slice %arg8[%dma_start3A_49, %dma_start3A_50] : memref<128x128xf32, #tpu.memory_space<vmem>> -> memref<64x128xf32, #tpu.memory_space<vmem>>
      %dma_start3A_52 = arith.constant 64 : i32
      %dma_start3A_53 = tpu.memref_slice %arg6[%dma_start3A_48, %dma_start3A_52] : memref<32x128xi32, #tpu.memory_space<vmem>> -> memref<1x64xi32, #tpu.memory_space<vmem>>
      %dma_start3A_54 = tpu.memref_squeeze %dma_start3A_53 : memref<1x64xi32, #tpu.memory_space<vmem>> -> memref<64xi32, #tpu.memory_space<vmem>>
      %dma_start3A_55 = arith.constant 0 : i32
      %dma_start3A_56 = arith.constant 0 : i32
      %dma_start3A_57 = tpu.memref_slice %arg2[%dma_start3A_55, %dma_start3A_56] : memref<20000x128xf32, #tpu.memory_space<hbm>> -> memref<20000x128xf32, #tpu.memory_space<hbm>>
      tpu.enqueue_indirect_dma source(%dma_start3A_57 : memref<20000x128xf32, #tpu.memory_space<hbm>>) target(%dma_start3A_51 : memref<64x128xf32, #tpu.memory_space<vmem>>) offsets(%dma_start3A_54 : memref<64xi32, #tpu.memory_space<vmem>>) semaphore(%arg12 : memref<!tpu.dma_semaphore, #tpu.memory_space<semaphore_mem>>)
      %scan3A_58 = arith.constant 0 : i32
      %scan3A_59 = arith.constant 16 : i32
      %scan3A_60 = arith.addi %scan3A_58, %scan3A_59 : i32
      %scan3A_61 = arith.constant 1 : i32
      scf.for %scan3A_82 = %scan3A_58 to %scan3A_60 step %scan3A_61  : i32 {
        %mul3A_83 = arith.constant 2 : i32
        %mul3A_84 = arith.muli %mul3A_83, %scan3A_82 : i32
        %add3A_85 = arith.constant 2 : i32
        %add3A_86 = arith.addi %mul3A_84, %add3A_85 : i32
        %min3A = arith.constant 31 : i32
        %min3A_87 = arith.minsi %add3A_86, %min3A : i32
        %dma_wait3A_88 = arith.constant 0 : i32
        %dma_wait3A_89 = arith.constant 0 : i32
        %dma_wait3A_90 = tpu.memref_slice %arg8[%dma_wait3A_88, %dma_wait3A_89] : memref<128x128xf32, #tpu.memory_space<vmem>> -> memref<64x128xf32, #tpu.memory_space<vmem>>
        %dma_wait3A_91 = arith.constant 0 : i32
        %dma_wait3A_92 = tpu.memref_slice %arg6[%mul3A_84, %dma_wait3A_91] : memref<32x128xi32, #tpu.memory_space<vmem>> -> memref<1x64xi32, #tpu.memory_space<vmem>>
        %dma_wait3A_93 = tpu.memref_squeeze %dma_wait3A_92 : memref<1x64xi32, #tpu.memory_space<vmem>> -> memref<64xi32, #tpu.memory_space<vmem>>
        %dma_wait3A_94 = arith.constant 0 : i32
        %dma_wait3A_95 = arith.constant 0 : i32
        %dma_wait3A_96 = tpu.memref_slice %arg2[%dma_wait3A_94, %dma_wait3A_95] : memref<20000x128xf32, #tpu.memory_space<hbm>> -> memref<20000x128xf32, #tpu.memory_space<hbm>>
        tpu.wait_indirect_dma semaphore(%arg11 : memref<!tpu.dma_semaphore, #tpu.memory_space<semaphore_mem>>) src(%dma_wait3A_96 : memref<20000x128xf32, #tpu.memory_space<hbm>>) dst(%dma_wait3A_90 : memref<64x128xf32, #tpu.memory_space<vmem>>)
        %dma_wait3A_97 = arith.constant 64 : i32
        %dma_wait3A_98 = arith.constant 0 : i32
        %dma_wait3A_99 = tpu.memref_slice %arg8[%dma_wait3A_97, %dma_wait3A_98] : memref<128x128xf32, #tpu.memory_space<vmem>> -> memref<64x128xf32, #tpu.memory_space<vmem>>
        %dma_wait3A_100 = arith.constant 64 : i32
        %dma_wait3A_101 = tpu.memref_slice %arg6[%mul3A_84, %dma_wait3A_100] : memref<32x128xi32, #tpu.memory_space<vmem>> -> memref<1x64xi32, #tpu.memory_space<vmem>>
        %dma_wait3A_102 = tpu.memref_squeeze %dma_wait3A_101 : memref<1x64xi32, #tpu.memory_space<vmem>> -> memref<64xi32, #tpu.memory_space<vmem>>
        %dma_wait3A_103 = arith.constant 0 : i32
        %dma_wait3A_104 = arith.constant 0 : i32
        %dma_wait3A_105 = tpu.memref_slice %arg2[%dma_wait3A_103, %dma_wait3A_104] : memref<20000x128xf32, #tpu.memory_space<hbm>> -> memref<20000x128xf32, #tpu.memory_space<hbm>>
        tpu.wait_indirect_dma semaphore(%arg12 : memref<!tpu.dma_semaphore, #tpu.memory_space<semaphore_mem>>) src(%dma_wait3A_105 : memref<20000x128xf32, #tpu.memory_space<hbm>>) dst(%dma_wait3A_99 : memref<64x128xf32, #tpu.memory_space<vmem>>)
        %add3A_106 = arith.constant 1 : i32
        %add3A_107 = arith.addi %mul3A_84, %add3A_106 : i32
        %dma_start3A_108 = arith.constant 0 : i32
        %dma_start3A_109 = arith.constant 0 : i32
        %dma_start3A_110 = tpu.memref_slice %arg9[%dma_start3A_108, %dma_start3A_109] : memref<128x128xf32, #tpu.memory_space<vmem>> -> memref<64x128xf32, #tpu.memory_space<vmem>>
        %dma_start3A_111 = arith.constant 0 : i32
        %dma_start3A_112 = tpu.memref_slice %arg6[%add3A_107, %dma_start3A_111] : memref<32x128xi32, #tpu.memory_space<vmem>> -> memref<1x64xi32, #tpu.memory_space<vmem>>
        %dma_start3A_113 = tpu.memref_squeeze %dma_start3A_112 : memref<1x64xi32, #tpu.memory_space<vmem>> -> memref<64xi32, #tpu.memory_space<vmem>>
        %dma_start3A_114 = arith.constant 0 : i32
        %dma_start3A_115 = arith.constant 0 : i32
        %dma_start3A_116 = tpu.memref_slice %arg2[%dma_start3A_114, %dma_start3A_115] : memref<20000x128xf32, #tpu.memory_space<hbm>> -> memref<20000x128xf32, #tpu.memory_space<hbm>>
        tpu.enqueue_indirect_dma source(%dma_start3A_116 : memref<20000x128xf32, #tpu.memory_space<hbm>>) target(%dma_start3A_110 : memref<64x128xf32, #tpu.memory_space<vmem>>) offsets(%dma_start3A_113 : memref<64xi32, #tpu.memory_space<vmem>>) semaphore(%arg13 : memref<!tpu.dma_semaphore, #tpu.memory_space<semaphore_mem>>)
        %dma_start3A_117 = arith.constant 64 : i32
        %dma_start3A_118 = arith.constant 0 : i32
        %dma_start3A_119 = tpu.memref_slice %arg9[%dma_start3A_117, %dma_start3A_118] : memref<128x128xf32, #tpu.memory_space<vmem>> -> memref<64x128xf32, #tpu.memory_space<vmem>>
        %dma_start3A_120 = arith.constant 64 : i32
        %dma_start3A_121 = tpu.memref_slice %arg6[%add3A_107, %dma_start3A_120] : memref<32x128xi32, #tpu.memory_space<vmem>> -> memref<1x64xi32, #tpu.memory_space<vmem>>
        %dma_start3A_122 = tpu.memref_squeeze %dma_start3A_121 : memref<1x64xi32, #tpu.memory_space<vmem>> -> memref<64xi32, #tpu.memory_space<vmem>>
        %dma_start3A_123 = arith.constant 0 : i32
        %dma_start3A_124 = arith.constant 0 : i32
        %dma_start3A_125 = tpu.memref_slice %arg2[%dma_start3A_123, %dma_start3A_124] : memref<20000x128xf32, #tpu.memory_space<hbm>> -> memref<20000x128xf32, #tpu.memory_space<hbm>>
        tpu.enqueue_indirect_dma source(%dma_start3A_125 : memref<20000x128xf32, #tpu.memory_space<hbm>>) target(%dma_start3A_119 : memref<64x128xf32, #tpu.memory_space<vmem>>) offsets(%dma_start3A_122 : memref<64xi32, #tpu.memory_space<vmem>>) semaphore(%arg14 : memref<!tpu.dma_semaphore, #tpu.memory_space<semaphore_mem>>)
        "tpu.region"() ({
          %run_scoped3A = tpu.sem_alloc : memref<!tpu.dma_semaphore, #tpu.memory_space<semaphore_mem>>
          %dma_start3A_166 = arith.constant 0 : i32
          %dma_start3A_167 = tpu.memref_slice %arg7[%mul3A_84, %dma_start3A_166] : memref<32x128xi32, #tpu.memory_space<vmem>> -> memref<1x128xi32, #tpu.memory_space<vmem>>
          %dma_start3A_168 = tpu.memref_squeeze %dma_start3A_167 : memref<1x128xi32, #tpu.memory_space<vmem>> -> memref<128xi32, #tpu.memory_space<vmem>>
          %dma_start3A_169 = arith.constant 0 : i32
          %dma_start3A_170 = arith.constant 0 : i32
          %dma_start3A_171 = tpu.memref_slice %arg10[%dma_start3A_169, %dma_start3A_170] : memref<10240x128xf32, #tpu.memory_space<vmem_shared>> -> memref<10240x128xf32, #tpu.memory_space<vmem_shared>>
          tpu.enqueue_indirect_dma source(%arg8 : memref<128x128xf32, #tpu.memory_space<vmem>>) target(%dma_start3A_171 : memref<10240x128xf32, #tpu.memory_space<vmem_shared>>) offsets(%dma_start3A_168 : memref<128xi32, #tpu.memory_space<vmem>>) semaphore(%run_scoped3A : memref<!tpu.dma_semaphore, #tpu.memory_space<semaphore_mem>>) {add = true}
          %dma_wait3A_172 = arith.constant 0 : i32
          %dma_wait3A_173 = tpu.memref_slice %arg7[%mul3A_84, %dma_wait3A_172] : memref<32x128xi32, #tpu.memory_space<vmem>> -> memref<1x128xi32, #tpu.memory_space<vmem>>
          %dma_wait3A_174 = tpu.memref_squeeze %dma_wait3A_173 : memref<1x128xi32, #tpu.memory_space<vmem>> -> memref<128xi32, #tpu.memory_space<vmem>>
          %dma_wait3A_175 = arith.constant 0 : i32
          %dma_wait3A_176 = arith.constant 0 : i32
          %dma_wait3A_177 = tpu.memref_slice %arg10[%dma_wait3A_175, %dma_wait3A_176] : memref<10240x128xf32, #tpu.memory_space<vmem_shared>> -> memref<10240x128xf32, #tpu.memory_space<vmem_shared>>
          tpu.wait_indirect_dma semaphore(%run_scoped3A : memref<!tpu.dma_semaphore, #tpu.memory_space<semaphore_mem>>) src(%arg8 : memref<128x128xf32, #tpu.memory_space<vmem>>) dst(%dma_wait3A_177 : memref<10240x128xf32, #tpu.memory_space<vmem_shared>>)
          tpu.yield
        }) : () -> ()
        %add3A_126 = arith.constant 1 : i32
        %add3A_127 = arith.addi %mul3A_84, %add3A_126 : i32
        %dma_wait3A_128 = arith.constant 0 : i32
        %dma_wait3A_129 = arith.constant 0 : i32
        %dma_wait3A_130 = tpu.memref_slice %arg9[%dma_wait3A_128, %dma_wait3A_129] : memref<128x128xf32, #tpu.memory_space<vmem>> -> memref<64x128xf32, #tpu.memory_space<vmem>>
        %dma_wait3A_131 = arith.constant 0 : i32
        %dma_wait3A_132 = tpu.memref_slice %arg6[%add3A_127, %dma_wait3A_131] : memref<32x128xi32, #tpu.memory_space<vmem>> -> memref<1x64xi32, #tpu.memory_space<vmem>>
        %dma_wait3A_133 = tpu.memref_squeeze %dma_wait3A_132 : memref<1x64xi32, #tpu.memory_space<vmem>> -> memref<64xi32, #tpu.memory_space<vmem>>
        %dma_wait3A_134 = arith.constant 0 : i32
        %dma_wait3A_135 = arith.constant 0 : i32
        %dma_wait3A_136 = tpu.memref_slice %arg2[%dma_wait3A_134, %dma_wait3A_135] : memref<20000x128xf32, #tpu.memory_space<hbm>> -> memref<20000x128xf32, #tpu.memory_space<hbm>>
        tpu.wait_indirect_dma semaphore(%arg13 : memref<!tpu.dma_semaphore, #tpu.memory_space<semaphore_mem>>) src(%dma_wait3A_136 : memref<20000x128xf32, #tpu.memory_space<hbm>>) dst(%dma_wait3A_130 : memref<64x128xf32, #tpu.memory_space<vmem>>)
        %dma_wait3A_137 = arith.constant 64 : i32
        %dma_wait3A_138 = arith.constant 0 : i32
        %dma_wait3A_139 = tpu.memref_slice %arg9[%dma_wait3A_137, %dma_wait3A_138] : memref<128x128xf32, #tpu.memory_space<vmem>> -> memref<64x128xf32, #tpu.memory_space<vmem>>
        %dma_wait3A_140 = arith.constant 64 : i32
        %dma_wait3A_141 = tpu.memref_slice %arg6[%add3A_127, %dma_wait3A_140] : memref<32x128xi32, #tpu.memory_space<vmem>> -> memref<1x64xi32, #tpu.memory_space<vmem>>
        %dma_wait3A_142 = tpu.memref_squeeze %dma_wait3A_141 : memref<1x64xi32, #tpu.memory_space<vmem>> -> memref<64xi32, #tpu.memory_space<vmem>>
        %dma_wait3A_143 = arith.constant 0 : i32
        %dma_wait3A_144 = arith.constant 0 : i32
        %dma_wait3A_145 = tpu.memref_slice %arg2[%dma_wait3A_143, %dma_wait3A_144] : memref<20000x128xf32, #tpu.memory_space<hbm>> -> memref<20000x128xf32, #tpu.memory_space<hbm>>
        tpu.wait_indirect_dma semaphore(%arg14 : memref<!tpu.dma_semaphore, #tpu.memory_space<semaphore_mem>>) src(%dma_wait3A_145 : memref<20000x128xf32, #tpu.memory_space<hbm>>) dst(%dma_wait3A_139 : memref<64x128xf32, #tpu.memory_space<vmem>>)
        %dma_start3A_146 = arith.constant 0 : i32
        %dma_start3A_147 = arith.constant 0 : i32
        %dma_start3A_148 = tpu.memref_slice %arg8[%dma_start3A_146, %dma_start3A_147] : memref<128x128xf32, #tpu.memory_space<vmem>> -> memref<64x128xf32, #tpu.memory_space<vmem>>
        %dma_start3A_149 = arith.constant 0 : i32
        %dma_start3A_150 = tpu.memref_slice %arg6[%min3A_87, %dma_start3A_149] : memref<32x128xi32, #tpu.memory_space<vmem>> -> memref<1x64xi32, #tpu.memory_space<vmem>>
        %dma_start3A_151 = tpu.memref_squeeze %dma_start3A_150 : memref<1x64xi32, #tpu.memory_space<vmem>> -> memref<64xi32, #tpu.memory_space<vmem>>
        %dma_start3A_152 = arith.constant 0 : i32
        %dma_start3A_153 = arith.constant 0 : i32
        %dma_start3A_154 = tpu.memref_slice %arg2[%dma_start3A_152, %dma_start3A_153] : memref<20000x128xf32, #tpu.memory_space<hbm>> -> memref<20000x128xf32, #tpu.memory_space<hbm>>
        tpu.enqueue_indirect_dma source(%dma_start3A_154 : memref<20000x128xf32, #tpu.memory_space<hbm>>) target(%dma_start3A_148 : memref<64x128xf32, #tpu.memory_space<vmem>>) offsets(%dma_start3A_151 : memref<64xi32, #tpu.memory_space<vmem>>) semaphore(%arg11 : memref<!tpu.dma_semaphore, #tpu.memory_space<semaphore_mem>>)
        %dma_start3A_155 = arith.constant 64 : i32
        %dma_start3A_156 = arith.constant 0 : i32
        %dma_start3A_157 = tpu.memref_slice %arg8[%dma_start3A_155, %dma_start3A_156] : memref<128x128xf32, #tpu.memory_space<vmem>> -> memref<64x128xf32, #tpu.memory_space<vmem>>
        %dma_start3A_158 = arith.constant 64 : i32
        %dma_start3A_159 = tpu.memref_slice %arg6[%min3A_87, %dma_start3A_158] : memref<32x128xi32, #tpu.memory_space<vmem>> -> memref<1x64xi32, #tpu.memory_space<vmem>>
        %dma_start3A_160 = tpu.memref_squeeze %dma_start3A_159 : memref<1x64xi32, #tpu.memory_space<vmem>> -> memref<64xi32, #tpu.memory_space<vmem>>
        %dma_start3A_161 = arith.constant 0 : i32
        %dma_start3A_162 = arith.constant 0 : i32
        %dma_start3A_163 = tpu.memref_slice %arg2[%dma_start3A_161, %dma_start3A_162] : memref<20000x128xf32, #tpu.memory_space<hbm>> -> memref<20000x128xf32, #tpu.memory_space<hbm>>
        tpu.enqueue_indirect_dma source(%dma_start3A_163 : memref<20000x128xf32, #tpu.memory_space<hbm>>) target(%dma_start3A_157 : memref<64x128xf32, #tpu.memory_space<vmem>>) offsets(%dma_start3A_160 : memref<64xi32, #tpu.memory_space<vmem>>) semaphore(%arg12 : memref<!tpu.dma_semaphore, #tpu.memory_space<semaphore_mem>>)
        %add3A_164 = arith.constant 1 : i32
        %add3A_165 = arith.addi %mul3A_84, %add3A_164 : i32
        "tpu.region"() ({
          %run_scoped3A = tpu.sem_alloc : memref<!tpu.dma_semaphore, #tpu.memory_space<semaphore_mem>>
          %dma_start3A_166 = arith.constant 0 : i32
          %dma_start3A_167 = tpu.memref_slice %arg7[%add3A_165, %dma_start3A_166] : memref<32x128xi32, #tpu.memory_space<vmem>> -> memref<1x128xi32, #tpu.memory_space<vmem>>
          %dma_start3A_168 = tpu.memref_squeeze %dma_start3A_167 : memref<1x128xi32, #tpu.memory_space<vmem>> -> memref<128xi32, #tpu.memory_space<vmem>>
          %dma_start3A_169 = arith.constant 0 : i32
          %dma_start3A_170 = arith.constant 0 : i32
          %dma_start3A_171 = tpu.memref_slice %arg10[%dma_start3A_169, %dma_start3A_170] : memref<10240x128xf32, #tpu.memory_space<vmem_shared>> -> memref<10240x128xf32, #tpu.memory_space<vmem_shared>>
          tpu.enqueue_indirect_dma source(%arg9 : memref<128x128xf32, #tpu.memory_space<vmem>>) target(%dma_start3A_171 : memref<10240x128xf32, #tpu.memory_space<vmem_shared>>) offsets(%dma_start3A_168 : memref<128xi32, #tpu.memory_space<vmem>>) semaphore(%run_scoped3A : memref<!tpu.dma_semaphore, #tpu.memory_space<semaphore_mem>>) {add = true}
          %dma_wait3A_172 = arith.constant 0 : i32
          %dma_wait3A_173 = tpu.memref_slice %arg7[%add3A_165, %dma_wait3A_172] : memref<32x128xi32, #tpu.memory_space<vmem>> -> memref<1x128xi32, #tpu.memory_space<vmem>>
          %dma_wait3A_174 = tpu.memref_squeeze %dma_wait3A_173 : memref<1x128xi32, #tpu.memory_space<vmem>> -> memref<128xi32, #tpu.memory_space<vmem>>
          %dma_wait3A_175 = arith.constant 0 : i32
          %dma_wait3A_176 = arith.constant 0 : i32
          %dma_wait3A_177 = tpu.memref_slice %arg10[%dma_wait3A_175, %dma_wait3A_176] : memref<10240x128xf32, #tpu.memory_space<vmem_shared>> -> memref<10240x128xf32, #tpu.memory_space<vmem_shared>>
          tpu.wait_indirect_dma semaphore(%run_scoped3A : memref<!tpu.dma_semaphore, #tpu.memory_space<semaphore_mem>>) src(%arg9 : memref<128x128xf32, #tpu.memory_space<vmem>>) dst(%dma_wait3A_177 : memref<10240x128xf32, #tpu.memory_space<vmem_shared>>)
          tpu.yield
        }) : () -> ()
      }
      %scan3A_62 = arith.constant 16 : i32
      %dma_wait3A = arith.constant 31 : i32
      %dma_wait3A_63 = arith.constant 0 : i32
      %dma_wait3A_64 = arith.constant 0 : i32
      %dma_wait3A_65 = tpu.memref_slice %arg8[%dma_wait3A_63, %dma_wait3A_64] : memref<128x128xf32, #tpu.memory_space<vmem>> -> memref<64x128xf32, #tpu.memory_space<vmem>>
      %dma_wait3A_66 = arith.constant 0 : i32
      %dma_wait3A_67 = tpu.memref_slice %arg6[%dma_wait3A, %dma_wait3A_66] : memref<32x128xi32, #tpu.memory_space<vmem>> -> memref<1x64xi32, #tpu.memory_space<vmem>>
      %dma_wait3A_68 = tpu.memref_squeeze %dma_wait3A_67 : memref<1x64xi32, #tpu.memory_space<vmem>> -> memref<64xi32, #tpu.memory_space<vmem>>
      %dma_wait3A_69 = arith.constant 0 : i32
      %dma_wait3A_70 = arith.constant 0 : i32
      %dma_wait3A_71 = tpu.memref_slice %arg2[%dma_wait3A_69, %dma_wait3A_70] : memref<20000x128xf32, #tpu.memory_space<hbm>> -> memref<20000x128xf32, #tpu.memory_space<hbm>>
      tpu.wait_indirect_dma semaphore(%arg11 : memref<!tpu.dma_semaphore, #tpu.memory_space<semaphore_mem>>) src(%dma_wait3A_71 : memref<20000x128xf32, #tpu.memory_space<hbm>>) dst(%dma_wait3A_65 : memref<64x128xf32, #tpu.memory_space<vmem>>)
      %dma_wait3A_72 = arith.constant 31 : i32
      %dma_wait3A_73 = arith.constant 64 : i32
      %dma_wait3A_74 = arith.constant 0 : i32
      %dma_wait3A_75 = tpu.memref_slice %arg8[%dma_wait3A_73, %dma_wait3A_74] : memref<128x128xf32, #tpu.memory_space<vmem>> -> memref<64x128xf32, #tpu.memory_space<vmem>>
      %dma_wait3A_76 = arith.constant 64 : i32
      %dma_wait3A_77 = tpu.memref_slice %arg6[%dma_wait3A_72, %dma_wait3A_76] : memref<32x128xi32, #tpu.memory_space<vmem>> -> memref<1x64xi32, #tpu.memory_space<vmem>>
      %dma_wait3A_78 = tpu.memref_squeeze %dma_wait3A_77 : memref<1x64xi32, #tpu.memory_space<vmem>> -> memref<64xi32, #tpu.memory_space<vmem>>
      %dma_wait3A_79 = arith.constant 0 : i32
      %dma_wait3A_80 = arith.constant 0 : i32
      %dma_wait3A_81 = tpu.memref_slice %arg2[%dma_wait3A_79, %dma_wait3A_80] : memref<20000x128xf32, #tpu.memory_space<hbm>> -> memref<20000x128xf32, #tpu.memory_space<hbm>>
      tpu.wait_indirect_dma semaphore(%arg12 : memref<!tpu.dma_semaphore, #tpu.memory_space<semaphore_mem>>) src(%dma_wait3A_81 : memref<20000x128xf32, #tpu.memory_space<hbm>>) dst(%dma_wait3A_75 : memref<64x128xf32, #tpu.memory_space<vmem>>)
    }
    "tpu.trace_stop"() : () -> ()
    "tpu.trace_start"() <{level = 10 : i32, message = "wb"}> : () -> ()
    %barrier3A_34 = arith.constant 0 : index
    tpu.barrier barrier_id(%barrier3A_34)
    "tpu.region"() ({
      %run_scoped3A = tpu.sem_alloc : memref<!tpu.dma_semaphore, #tpu.memory_space<semaphore_mem>>
      %dma_start3A = arith.constant 0 : i32
      %dma_start3A_35 = tpu.memref_slice %arg5[%arg0, %mul3A_5, %dma_start3A] : memref<2x10240x128xf32, #tpu.memory_space<hbm>> -> memref<1x640x128xf32, #tpu.memory_space<hbm>>
      %dma_start3A_36 = tpu.memref_squeeze %dma_start3A_35 : memref<1x640x128xf32, #tpu.memory_space<hbm>> -> memref<640x128xf32, #tpu.memory_space<hbm>>
      %dma_start3A_37 = arith.constant 0 : i32
      %dma_start3A_38 = tpu.memref_slice %arg10[%mul3A_5, %dma_start3A_37] : memref<10240x128xf32, #tpu.memory_space<vmem_shared>> -> memref<640x128xf32, #tpu.memory_space<vmem_shared>>
      tpu.enqueue_dma source(%dma_start3A_38 : memref<640x128xf32, #tpu.memory_space<vmem_shared>>) target(%dma_start3A_36 : memref<640x128xf32, #tpu.memory_space<hbm>>) target_semaphore(%run_scoped3A : memref<!tpu.dma_semaphore, #tpu.memory_space<semaphore_mem>>)
      %dma_wait3A = arith.constant 0 : i32
      %dma_wait3A_39 = tpu.memref_slice %arg5[%arg0, %mul3A_5, %dma_wait3A] : memref<2x10240x128xf32, #tpu.memory_space<hbm>> -> memref<1x640x128xf32, #tpu.memory_space<hbm>>
      %dma_wait3A_40 = tpu.memref_squeeze %dma_wait3A_39 : memref<1x640x128xf32, #tpu.memory_space<hbm>> -> memref<640x128xf32, #tpu.memory_space<hbm>>
      %dma_wait3A_41 = arith.constant 0 : i32
      %dma_wait3A_42 = tpu.memref_slice %arg10[%mul3A_5, %dma_wait3A_41] : memref<10240x128xf32, #tpu.memory_space<vmem_shared>> -> memref<640x128xf32, #tpu.memory_space<vmem_shared>>
      tpu.wait_dma2 semaphore(%run_scoped3A : memref<!tpu.dma_semaphore, #tpu.memory_space<semaphore_mem>>) src(%dma_wait3A_42 : memref<640x128xf32, #tpu.memory_space<vmem_shared>>) dst(%dma_wait3A_40 : memref<640x128xf32, #tpu.memory_space<hbm>>)
      tpu.yield
    }) : () -> ()
    "tpu.trace_stop"() : () -> ()
    return
  }
}

module attributes {stable_mosaic.version = 14 : i64} {
  func.func @mm(%arg0: i32, %arg1: memref<1000x128xf32, #tpu.memory_space<vmem>>, %arg2: memref<128x128xf32, #tpu.memory_space<vmem>>, %arg3: memref<8x128xf32, #tpu.memory_space<vmem>>, %arg4: memref<2x1000x128xf32, #tpu.memory_space<vmem>>) attributes {dimension_semantics = [#tpu.dimension_semantics<arbitrary>], iteration_bounds = array<i64: 10>, scalar_prefetch = 0 : i64, scratch_operands = 0 : i64, tpu.core_type = #tpu.core_type<tc>, window_params = [{transform_indices = @transform_0, window_bounds = array<i64: 1000, 128>}, {pipeline_mode = #tpu.pipeline_mode<synchronous>, transform_indices = @transform_1, window_bounds = array<i64: 128, 128>}, {pipeline_mode = #tpu.pipeline_mode<synchronous>, transform_indices = @transform_2, window_bounds = array<i64: 8, 128>}, {transform_indices = @transform_3, window_bounds = array<i64: 2, 1000, 128>}]} {
    %get3A = arith.constant 0 : index
    %get3A_0 = arith.constant 0 : index
    %get3A_1 = vector.load %arg1[%get3A, %get3A_0] : memref<1000x128xf32, #tpu.memory_space<vmem>>, vector<1000x128xf32>
    %get3A_2 = arith.constant 0 : index
    %get3A_3 = arith.constant 0 : index
    %get3A_4 = vector.load %arg2[%get3A_2, %get3A_3] : memref<128x128xf32, #tpu.memory_space<vmem>>, vector<128x128xf32>
    %dot_general3A = arith.constant dense<0.000000e+00> : vector<1000x128xf32>
    %dot_general3A_5 = tpu.matmul %get3A_1, %get3A_4, %dot_general3A {dimension_numbers = #tpu.dot_dimension_numbers<[1], [1], [0], [0], [0, 0, 1, 0], [], []>, transpose_lhs_hint = false} : vector<1000x128xf32>, vector<128x128xf32>, vector<1000x128xf32> -> vector<1000x128xf32>
    %get3A_6 = arith.constant 0 : index
    %get3A_7 = arith.constant 0 : index
    %get3A_8 = vector.load %arg3[%get3A_6, %get3A_7] : memref<8x128xf32, #tpu.memory_space<vmem>>, vector<1x128xf32>
    %get3A_9 = vector.shape_cast %get3A_8 : vector<1x128xf32> to vector<128xf32>
    %broadcast_in_dim3A = vector.shape_cast %get3A_9 : vector<128xf32> to vector<1x128xf32>
    %add3A = vector.broadcast %broadcast_in_dim3A : vector<1x128xf32> to vector<1000x128xf32>
    %add3A_10 = arith.addf %dot_general3A_5, %add3A : vector<1000x128xf32>
    %swap3A = arith.constant 0 : index
    %swap3A_11 = arith.constant 0 : index
    %swap3A_12 = arith.constant 0 : index
    %swap3A_13 = vector.load %arg4[%swap3A, %swap3A_11, %swap3A_12] : memref<2x1000x128xf32, #tpu.memory_space<vmem>>, vector<1x1000x128xf32>
    %swap3A_14 = vector.shape_cast %swap3A_13 : vector<1x1000x128xf32> to vector<1000x128xf32>
    %swap3A_15 = vector.shape_cast %add3A_10 : vector<1000x128xf32> to vector<1x1000x128xf32>
    tpu.vector_store %arg4[%swap3A, %swap3A_11, %swap3A_12], %swap3A_15 {strides = array<i32>} : memref<2x1000x128xf32, #tpu.memory_space<vmem>>, vector<1x1000x128xf32>,
    %swap3A_16 = arith.constant 1 : index
    %swap3A_17 = arith.constant 0 : index
    %swap3A_18 = arith.constant 0 : index
    %swap3A_19 = vector.load %arg4[%swap3A_16, %swap3A_17, %swap3A_18] : memref<2x1000x128xf32, #tpu.memory_space<vmem>>, vector<1x1000x128xf32>
    %swap3A_20 = vector.shape_cast %swap3A_19 : vector<1x1000x128xf32> to vector<1000x128xf32>
    %swap3A_21 = vector.shape_cast %add3A_10 : vector<1000x128xf32> to vector<1x1000x128xf32>
    tpu.vector_store %arg4[%swap3A_16, %swap3A_17, %swap3A_18], %swap3A_21 {strides = array<i32>} : memref<2x1000x128xf32, #tpu.memory_space<vmem>>, vector<1x1000x128xf32>,
    return
  }
  func.func @transform_0(%arg0: i32) -> (i32, i32) {
    %c0_i32 = arith.constant 0 : i32
    %c0_i32_0 = arith.constant 0 : i32
    return %arg0, %c0_i32 : i32, i32
  }
  func.func @transform_1(%arg0: i32) -> (i32, i32) {
    %c0_i32 = arith.constant 0 : i32
    %c0_i32_0 = arith.constant 0 : i32
    %c0_i32_1 = arith.constant 0 : i32
    return %c0_i32, %c0_i32_0 : i32, i32
  }
  func.func @transform_2(%arg0: i32) -> (i32, i32) {
    %c0_i32 = arith.constant 0 : i32
    %c0_i32_0 = arith.constant 0 : i32
    %c0_i32_1 = arith.constant 0 : i32
    return %c0_i32, %c0_i32_0 : i32, i32
  }
  func.func @transform_3(%arg0: i32) -> (i32, i32, i32) {
    %c0_i32 = arith.constant 0 : i32
    %c0_i32_0 = arith.constant 0 : i32
    %c0_i32_1 = arith.constant 0 : i32
    return %c0_i32, %arg0, %c0_i32_0 : i32, i32, i32
  }
}

module attributes {stable_mosaic.version = 14 : i64} {
  func.func @add2(%arg0: i32, %arg1: memref<2x1000x128xf32, #tpu.memory_space<vmem>>, %arg2: memref<1000x128xf32, #tpu.memory_space<vmem>>) attributes {dimension_semantics = [#tpu.dimension_semantics<arbitrary>], iteration_bounds = array<i64: 10>, scalar_prefetch = 0 : i64, scratch_operands = 0 : i64, tpu.core_type = #tpu.core_type<tc>, window_params = [{transform_indices = @transform_0, window_bounds = array<i64: 2, 1000, 128>}, {transform_indices = @transform_1, window_bounds = array<i64: 1000, 128>}]} {
    %get3A = arith.constant 0 : index
    %get3A_0 = arith.constant 0 : index
    %get3A_1 = arith.constant 0 : index
    %get3A_2 = vector.load %arg1[%get3A, %get3A_0, %get3A_1] : memref<2x1000x128xf32, #tpu.memory_space<vmem>>, vector<1x1000x128xf32>
    %get3A_3 = vector.shape_cast %get3A_2 : vector<1x1000x128xf32> to vector<1000x128xf32>
    %get3A_4 = arith.constant 1 : index
    %get3A_5 = arith.constant 0 : index
    %get3A_6 = arith.constant 0 : index
    %get3A_7 = vector.load %arg1[%get3A_4, %get3A_5, %get3A_6] : memref<2x1000x128xf32, #tpu.memory_space<vmem>>, vector<1x1000x128xf32>
    %get3A_8 = vector.shape_cast %get3A_7 : vector<1x1000x128xf32> to vector<1000x128xf32>
    %add3A = arith.addf %get3A_3, %get3A_8 : vector<1000x128xf32>
    %swap3A = arith.constant 0 : index
    %swap3A_9 = arith.constant 0 : index
    %swap3A_10 = vector.load %arg2[%swap3A, %swap3A_9] : memref<1000x128xf32, #tpu.memory_space<vmem>>, vector<1000x128xf32>
    tpu.vector_store %arg2[%swap3A, %swap3A_9], %add3A {strides = array<i32>} : memref<1000x128xf32, #tpu.memory_space<vmem>>, vector<1000x128xf32>,
    return
  }
  func.func @transform_0(%arg0: i32) -> (i32, i32, i32) {
    %c0_i32 = arith.constant 0 : i32
    %c0_i32_0 = arith.constant 0 : i32
    %c0_i32_1 = arith.constant 0 : i32
    return %c0_i32, %arg0, %c0_i32_0 : i32, i32, i32
  }
  func.func @transform_1(%arg0: i32) -> (i32, i32) {
    %c0_i32 = arith.constant 0 : i32
    %c0_i32_0 = arith.constant 0 : i32
    return %arg0, %c0_i32 : i32, i32
  }
}

</mosaic_0001>

<sc_bundles>
// kernel: kernel.5.cloned.1.call-start
scs
__scs_entry_jumppad:
0x0: {  	(pc) =	sbr.rel $0x88, $3  }
0x1: {  	(tag) =	ssettag $0x0;
	lr =	simm.s32 $0x1  }
0x2: {  	[smem:$0x3F9D] =	sst lr;
	_ =	strace $0xD0000000  }
0x3: {  	_ = 	snop  }
0x4: {  	_ = 	snop  }
0x5: {  	_ = 	snop  }
0x6: {  	_ = 	snop  }
0x7: {  	_ = 	snop  }
__scs_overlays_trampoline_lowered:
0x8: {  	[smem:$0x3FAC] =	sst s0  }
0x9: {  	[smem:$0x3FAD] =	sst s1  }
0xa: {  	[smem:$0x3FAE] =	sst s2  }
0xb: {  	[smem:$0x3FAF] =	sst s3  }
0xc: {  	[smem:$0x3FB0] =	sst s4  }
0xd: {  	[smem:$0x3FB1] =	sst s5  }
0xe: {  	[smem:$0x3FB2] =	sst s6  }
0xf: {  	[smem:$0x3FB3] =	sst s7  }
0x10: {  	[smem:$0x3FB4] =	sst s8  }
0x11: {  	[smem:$0x3FB5] =	sst s9;
	s0 =	simm.s32 @!p0 $0x0  }
0x12: {  	s1 =	sld [smem:$0x3F9B];
	s0 =	simm.s32 @p0 $0x1  }
0x13: {  	[smem:$0x3FB6] =	sst s0;
	s0 =	simm.s32 @!p1 $0x0  }
0x14: {  	s2 =	sld [smem:$0x3F9A];
	s0 =	simm.s32 @p1 $0x1  }
0x15: {  	[smem:$0x3FB7] =	sst s0;
	s0 =	simm.s32 @!p2 $0x0  }
0x16: {  	s3 =	sld [smem:$0x3FDB];
	s0 =	simm.s32 @p2 $0x1  }
0x17: {  	s4 =	simm.s32 $0x1BF5;
	[smem:$0x3FB9] =	sst s0  }
0x18: {  	s0 =	sld [smem:$0x3F9C];
	_ =	swait.ge [sflag:s4], $0x0  }
0x19: {  	s7 =	sld [smem:$0x3F9D]  }
0x1a: {  	s8 =	sadd.s32 $0xFFFFE003, lr  }
0x1b: {  	s9 =	sadd.s32 $0xFFFFFEF7, lr;
	s5 =	simm.s32 $0xFFFFFFFF;
	p2 =	slt.u32 s8, $0xFFFFF086  }
0x1c: {  	p1 =	slt.u32 s9, $0xF7A;
	s5 =	simm.s32 @!p2 $0x0  }
0x1d: {  	s5 =	simm.s32 @p1 $0x1;
	p0 =	seq.s32 s7, s2  }
0x1e: {  	s7 =	smul.u32 @!p0 $0xF7A, s2;
	p2 =	seq.s32 @!p0 s5, $0x0  }
0x1f: {  	s9 =	smul.u32 $0xF7A, s1;
	s8 =	simm.s32 @!p0 $0x1BF5;
	p2 =	por !p2, p0  }
0x20: {  	[sflag:s8] =	ssyncset.s32 @!p0 $0xFFFFF086;
	s6 =	sadd.s32 @!p0 s3, s7;
	s7 =	simm.s32 @!p0 $0x108  }
0x21: {  	s3 =	sadd.s32 s3, s9;
	s6 =	sadd.s32 @!p0 $0x88, s6;
	s7 =	simm.s32 @p2 $0x1082  }
0x22: {  	[simem:s7], [sflag:s8] =	dma.local @!p0 [hbm:s6], $0xF7A  }
0x23: {  	s9 =	sor.u32 $0xD0000000, s2;
	s6 =	simm.s32 $0x108;
	_ =	swait.ge @!p0 [sflag:s8], $0x0  }
0x24: {  	s3 =	sadd.s32 $0x88, s3;
	s6 =	simm.s32 @!p1 $0x1082;
	[sflag:s4] =	ssyncset.s32 $0xFFFFF086  }
0x25: {  	[simem:s6], [sflag:s4] =	dma.local [hbm:s3], $0xF7A  }
0x26: {  	[smem:$0x3F9D] =	sst s1;
	(tag) =	ssettag s2;
	_ =	strace s9  }
0x27: {  	s1 =	sld [smem:$0x3FAD]  }
0x28: {  	s2 =	sld [smem:$0x3FAE]  }
0x29: {  	s4 =	sld [smem:$0x3FB0]  }
0x2a: {  	p0 =	seq.s32 s5, $0x0;
	s5 =	sld [smem:$0x3FB1]  }
0x2b: {  	s6 =	sld [smem:$0x3FB2]  }
0x2c: {  	s7 =	sld [smem:$0x3FB3]  }
0x2d: {  	s3 =	simm.s32 $0x108;
	s8 =	sld [smem:$0x3FB4]  }
0x2e: {  	s3 =	simm.s32 @!p0 $0x1082;
	s9 =	sld [smem:$0x3FB5]  }
0x2f: {  	lr =	sadd.s32 s0, s3;
	s0 =	sld [smem:$0x3FAC]  }
0x30: {  	s3 =	sld [smem:$0x3FAF]  }
0x31: {  	[smem:$0x3FB8] =	sst s10  }
0x32: {  	s10 =	sld [smem:$0x3FB6];
	_ =	sdelay $0x3  }
0x33: {  	p0 =	seq.s32 s10, $0x1;
	s10 =	sld [smem:$0x3FB8];
	_ =	sdelay $0x3  }
0x34: {  	[smem:$0x3FB8] =	sst s10  }
0x35: {  	s10 =	sld [smem:$0x3FB7];
	_ =	sdelay $0x3  }
0x36: {  	p1 =	seq.s32 s10, $0x1;
	s10 =	sld [smem:$0x3FB8];
	_ =	sdelay $0x3  }
0x37: {  	[smem:$0x3FB8] =	sst s10  }
0x38: {  	s10 =	sld [smem:$0x3FB9]  }
0x39: {  	_ = 	snop;
	(pc) =	sbr.ind lr, $3  }
0x3a: {  	_ = 	snop  }
0x3b: {  	_ = 	snop  }
0x3c: {  	p2 =	seq.s32 s10, $0x1;
	s10 =	sld [smem:$0x3FB8]  }
0x3d: {  	_ =	shalt  }
0x3e: {  	_ =	shalt  }
0x3f: {  	_ =	shalt  }
0x40: {  	_ =	shalt  }
0x41: {  	_ =	shalt  }
0x42: {  	_ =	shalt  }
0x43: {  	_ =	shalt  }
0x44: {  	_ =	shalt  }
0x45: {  	_ =	shalt  }
0x46: {  	_ =	shalt  }
0x47: {  	_ =	shalt  }
0x48: {  	_ =	shalt  }
0x49: {  	_ =	shalt  }
0x4a: {  	_ =	shalt  }
0x4b: {  	_ =	shalt  }
0x4c: {  	_ =	shalt  }
0x4d: {  	_ =	shalt  }
0x4e: {  	_ =	shalt  }
0x4f: {  	_ =	shalt  }
0x50: {  	_ =	shalt  }
0x51: {  	_ =	shalt  }
0x52: {  	_ =	shalt  }
0x53: {  	_ =	shalt  }
0x54: {  	_ =	shalt  }
0x55: {  	_ =	shalt  }
0x56: {  	_ =	shalt  }
0x57: {  	_ =	shalt  }
0x58: {  	_ =	shalt  }
0x59: {  	_ =	shalt  }
0x5a: {  	_ =	shalt  }
0x5b: {  	_ =	shalt  }
0x5c: {  	_ =	shalt  }
0x5d: {  	_ =	shalt  }
0x5e: {  	_ =	shalt  }
0x5f: {  	_ =	shalt  }
0x60: {  	_ =	shalt  }
0x61: {  	_ =	shalt  }
0x62: {  	_ =	shalt  }
0x63: {  	_ =	shalt  }
0x64: {  	_ =	shalt  }
0x65: {  	_ =	shalt  }
0x66: {  	_ =	shalt  }
0x67: {  	_ =	shalt  }
0x68: {  	_ =	shalt  }
0x69: {  	_ =	shalt  }
0x6a: {  	_ =	shalt  }
0x6b: {  	_ =	shalt  }
0x6c: {  	_ =	shalt  }
0x6d: {  	_ =	shalt  }
0x6e: {  	_ =	shalt  }
0x6f: {  	_ =	shalt  }
0x70: {  	_ =	shalt  }
0x71: {  	_ =	shalt  }
0x72: {  	_ =	shalt  }
0x73: {  	_ =	shalt  }
0x74: {  	_ =	shalt  }
0x75: {  	_ =	shalt  }
0x76: {  	_ =	shalt  }
0x77: {  	_ =	shalt  }
0x78: {  	_ =	shalt  }
0x79: {  	_ =	shalt  }
0x7a: {  	_ =	shalt  }
0x7b: {  	_ =	shalt  }
0x7c: {  	_ =	shalt  }
0x7d: {  	_ =	shalt  }
0x7e: {  	_ =	shalt  }
0x7f: {  	_ =	shalt  }
0x80: {  	_ =	shalt  }
0x81: {  	_ =	shalt  }
0x82: {  	_ =	shalt  }
0x83: {  	_ =	shalt  }
0x84: {  	_ =	shalt  }
0x85: {  	_ =	shalt  }
0x86: {  	_ =	shalt  }
0x87: {  	_ =	shalt  }
.Lfunc_end0:
.L_simem_size_0:
called_computation_lowered:
.L_overlay_start_0:
0x88: {  	s2 =	sld [smem:$0x3FD9]  }
0x89: {  	s3 =	sld [smem:$0x3FFE];
	_ =	sdelay $0x1  }
0x8a: {  	s1 =	srdreg.scid  }
0x8b: {  	s0 =	sand.u32 $0x1, s1  }
0x8c: {  	s17 =	sshll.u32 s0, $0xA;
	s2 =	sadd.s32 s3, s2  }
0x8d: {  	s2 =	sadd.s32 s2, s17  }
0x8e: {  	[smem:$0x3FC4] =	sst s2  }
0x8f: {  	_ = 	snop  }
0x90: {  	s2 =	sld [smem:$0x3FD0];
	(tm) =	ssettm $0x1  }
0x91: {  	s18 =	sld [smem:$0x3FFB];
	_ =	sdelay $0x3  }
0x92: {  	_ =	strace s18  }
0x93: {  	s3 =	sld [smem:$0x3FFC];
	_ =	sdelay $0x3  }
0x94: {  	_ =	strace s3  }
0x95: {  	s3 =	sld [smem:$0x3FFD];
	_ =	sdelay $0x3  }
0x96: {  	_ =	strace s3  }
0x97: {  	_ =	strace $0x8FFFFFFF  }
0x98: {  	s19 =	sld [smem:$0x3FDB];
	_ =	sdelay $0x1  }
0x99: {  	s4 =	simm.s32 $_scs_section_size  }
0x9a: {  	s5 =	simm.s32 $_size__tile_overlayer_lowered;
	s6 =	simm.s32 $_tile_overlayer_lowered  }
0x9b: {  	s22 =	simm.s32 $0x1BFF;
	s21 =	sshll.u32 s6, $0x1;
	s3 =	sadd.s32 s4, s19  }
0x9c: {  	s7 =	simm.s32 $0x0;
	s20 =	sshll.u32 s5, $0x1;
	s5 =	sadd.s32 s21, s3  }
0x9d: {  	[timem:s7], [sflag:s22] =	dma.local [hbm:s5], s20  }
0x9e: {  	_ =	swait.ge [sflag:s22], s20  }
0x9f: {  	s4 =	ssub.s32 $0x0, s20;
	[sflag:s22] =	ssyncset.done $0x0  }
0xa0: {  	[sflag:s22] =	ssyncadd.s32 s4;
	_ =	sdelay $0x1  }
0xa1: {  	s23 =	simm.s32 $0x1B8B  }
0xa2: {  	_ =	swait.ge [sflag:s23], $0x1  }
0xa3: {  	[sflag:s23] =	ssyncset.done $0x0  }
0xa4: {  	s25 =	simm.s32 $0x1B8E;
	s24 =	sld [smem:$0x3FFE];
	[sflag:s23] =	ssyncadd.s32 $0xFFFFFFFF  }
0xa5: {  	s26 =	simm.s32 $execute0_lowered;
	[smem:$0x3FD2] =	sst s25  }
0xa6: {  	s5 =	sshll.u32 s26, $0x1;
	_ =	strace $0x80000046;
	[dreg:$0x1] =	wrdreg $0xFFFFFFFF  }
0xa7: {  	s28 =	simm.s32 $_size_execute0_lowered;
	s3 =	sadd.s32 s3, s5;
	[dreg:$0x0] =	wrdreg $0x0  }
0xa8: {  	s5 =	sshll.u32 s28, $0x1;
	[dreg:$0x2] =	wrdreg s3  }
0xa9: {  	[dreg:$0x3] =	wrdreg s5  }
0xaa: {  	[dreg:$0x4] =	wrdreg $0xC0  }
0xab: {  	_ =	task [dreg:s7], $0x5FFFF  }
0xac: {  	[dreg:$0x1] =	wrdreg $0xFFFFFFFF  }
0xad: {  	[dreg:$0x0] =	wrdreg $0x60  }
0xae: {  	[dreg:$0x2] =	wrdreg s24  }
0xaf: {  	[dreg:$0x3] =	wrdreg s2  }
0xb0: {  	[dreg:$0x4] =	wrdreg $0xA0000  }
0xb1: {  	[dreg:$0x5] =	wrdreg $0x9  }
0xb2: {  	_ =	task.clear_ibuf [dreg:s7], $0x6FFFF;
	_ =	strace $0x90000046  }
0xb3: {  	s29 =	simm.s32 $0x9;
	_ =	strace $0x8000004B  }
0xb4: {  	_ =	swait.ge [sflag:s29], $0x1  }
0xb5: {  	[sflag:s29] =	ssyncadd.s32 $0xFFFFFFFF  }
0xb6: {  	_ =	strace $0x9000004B  }
0xb7: {  	_ =	sfence  }
0xb8: {  	s30 =	sld [smem:$0x0];
	_ =	sdelay $0x2  }
0xb9: {  	s31 =	sshll.u32 s1, $0xD;
	s1 =	sshrl.u32 s1, $0x2  }
0xba: {  	s3 =	sand.u32 $0x4000, s31;
	s1 =	sadd.s32 s1, s30  }
0xbb: {  	s0 =	sor.u32 s3, s0;
	s1 =	sshll.u32 s1, $0x11  }
0xbc: {  	s0 =	sor.u32 s1, s0  }
0xbd: {  	s0 =	sadd.s32 $0x8F2B, s0  }
0xbe: {  	[sflag:s0] =	ssyncadd.remote.s32 $0x1  }
0xbf: {  	_ =	sfence.sel $0xFFFF  }
0xc0: {  	[dreg:$0x0] =	wrdreg $0xFFFFFFFF;
	(pc) =	sbr.abs _section_cstart, $3  }
0xc1: {  	[dreg:$0x1] =	wrdreg $0xFFFFFFFF  }
0xc2: {  	_ =	task.clear_ibuf [dreg:s7], $0x2FFFF;
	_ =	strace $0x9FFFFFFF  }
0xc3: {  	(tm) =	ssettm $0x7FFFFFFF  }
tec
execute0_lowered:
.L_overlay_start_1:
0x0: {  	(tag) =	ssettag $0x1  }
0x1: {  	s0 =	rddreg [dreg:$0x0]  }
0x2: {  	s2 =	rddreg [dreg:$0x1];
	s1 =	srdreg.scid  }
0x3: {  	s3 =	rddreg [dreg:$0x2];
	s12 =	stileid.u32  }
0x4: {  	s4 =	simm.s32 $0x0;
	s15 =	simm.s32 $0x2000;
	s16 =	simm.s32 $0x5  }
0x5: {  	s17 =	simm.s32 $0x1000;
	s18 =	simm.s32 $0x40;
	s19 =	simm.s32 $0x4000  }
0x6: {  	s20 =	simm.s32 $0x1;
	s21 =	simm.s32 $0x2;
	s22 =	simm.s32 $0x6000  }
0x7: {  	s28 =	simm.s32 $0xF80;
	s29 =	simm.s32 $0xFC0;
	s30 =	simm.s32 $0x1F00  }
0x8: {  	s31 =	simm.s32 $0x1F80;
	s1 =	sand.u32 $0x1, s1;
	s8 =	smul.u32 $0x14000, s12  }
0x9: {  	[smem:$0x7FF] =	sst s4;
	s9 =	smul.u32 $0x50000, s12;
	s5 =	sadd.s32 $0xA600, s0  }
0xa: {  	s6 =	sadd.s32 $0x600, s0;
	s26 =	sshll.u32 s12, $0xC;
	s13 =	sshll.u32 s12, $0xE  }
0xb: {  	s7 =	smul.u32 $0x140000, s1;
	_ =	strace $0x80000047;
	s23 =	ssub.s32 $0x2, s1  }
0xc: {  	p0 =	seq.s32 s1, $0x0;
	s9 =	sshrl.u32 s9, $0x2;
	s11 =	sshrl.u32 s23, $0x1  }
0xd: {  	s7 =	sadd.s32 s8, s7;
	s8 =	ssub.s32 s23, s11;
	s11 =	sor.u32 $0x40000, s26  }
0xe: {  	s23 =	simm.s32 $0x8000;
	s10 =	sshrl.u32 s7, $0x3;
	s7 =	sadd.s32 s9, s3  }
0xf: {  	s26 =	simm.s32 $0x4;
	s11 =	smov.u32 @p0 s13;
	s9 =	sadd.s32 $0x4000, s7  }
0x10: {  	s14 =	smax.u32 s8, $0x1;
	s24 =	sadd.s32 $0x8000, s7;
	[dreg:$0x4] =	wrdreg s9  }
0x11: {  	p0 =	sne.s32 s1, $0x0;
	s25 =	sadd.s32 $0xC000, s7;
	[dreg:$0x5] =	wrdreg s24  }
0x12: {  	s0 =	sadd.s32 s10, s0;
	s12 =	sadd.s32 $0x10000, s7;
	[dreg:$0x6] =	wrdreg s25  }
0x13: {  	v0 =	vimm.f32 $0.0e+00;
	s13 =	sadd.s32 $0x58800, s0;
	s24 =	simm.s32 $0x80;
	s25 =	simm.s32 $0x3  }
.LBB2_1:
0x14: {  	_ =	strace $0x80000048;
	s0 =	simm.s32 $0x0;
	s1 =	simm.s32 $0x200  }
.LBB2_2:
0x15: {  	p1 =	sne.s32 s1, $0xFE00;
	[tilespmem:s0+$0x2070] =	vst v0  }
0x16: {  	[tilespmem:s0+$0x2000] =	vst v0  }
0x17: {  	[tilespmem:s0+$0x2010] =	vst v0  }
.Ltmp0:
0x18: {  	[tilespmem:s0+$0x2020] =	vst v0;
	(pc) =	sbr.rel @p1 .LBB2_2-.Ltmp0, $4  }
0x19: {  	[tilespmem:s0+$0x2030] =	vst v0  }
0x1a: {  	[tilespmem:s0+$0x2040] =	vst v0  }
0x1b: {  	[tilespmem:s0+$0x2050] =	vst v0  }
0x1c: {  	[tilespmem:s0+$0x2060] =	vst v0;
	s0 =	sshra.s32 s1, $0x2;
	s1 =	sadd.s32 $0x200, s1  }
0x1d: {  	[tilespmem:s0+$0x2070] =	vst v0  }
0x1e: {  	[tilespmem:s0+$0x2000] =	vst v0  }
0x1f: {  	[tilespmem:s0+$0x2010] =	vst v0  }
0x20: {  	[tilespmem:s0+$0x2020] =	vst v0  }
0x21: {  	[tilespmem:s0+$0x2030] =	vst v0  }
0x22: {  	[tilespmem:s0+$0x2040] =	vst v0  }
0x23: {  	[tilespmem:s0+$0x2050] =	vst v0  }
0x24: {  	[tilespmem:s0+$0x2060] =	vst v0  }
0x25: {  	[spmem:s7] =	stream.linear.scatter [tilespmem:s15], [sflag:$0x5], $0x4000, $0x200038;
	[tilespmem:$0x1E000] =	vst v63  }
0x26: {  	_ =	swait.ge [sflag:s16], $0x4000  }
0x27: {  	[sflag:s16] =	ssyncset.done $0x0  }
0x28: {  	s8 =	rddreg [dreg:$0x4];
	[sflag:s16] =	ssyncadd.s32 $0xFFFFC000  }
0x29: {  	[spmem:s8] =	stream.linear.scatter [tilespmem:s15], [sflag:$0x5], $0x4000, $0x200038;
	[tilespmem:$0x1E000] =	vst v63  }
0x2a: {  	_ =	swait.ge [sflag:s16], $0x4000  }
0x2b: {  	[sflag:s16] =	ssyncset.done $0x0  }
0x2c: {  	s9 =	rddreg [dreg:$0x5];
	[sflag:s16] =	ssyncadd.s32 $0xFFFFC000  }
0x2d: {  	[spmem:s9] =	stream.linear.scatter [tilespmem:s15], [sflag:$0x5], $0x4000, $0x200038;
	[tilespmem:$0x1E000] =	vst v63  }
0x2e: {  	_ =	swait.ge [sflag:s16], $0x4000  }
0x2f: {  	[sflag:s16] =	ssyncset.done $0x0  }
0x30: {  	s10 =	rddreg [dreg:$0x6];
	[sflag:s16] =	ssyncadd.s32 $0xFFFFC000  }
0x31: {  	[spmem:s10] =	stream.linear.scatter [tilespmem:s15], [sflag:$0x5], $0x4000, $0x200038;
	[tilespmem:$0x1E000] =	vst v63  }
0x32: {  	_ =	swait.ge [sflag:s16], $0x4000  }
0x33: {  	[sflag:s16] =	ssyncset.done $0x0  }
0x34: {  	[sflag:s16] =	ssyncadd.s32 $0xFFFFC000  }
0x35: {  	[spmem:s12] =	stream.linear.scatter [tilespmem:s15], [sflag:$0x5], $0x4000, $0x200038;
	[tilespmem:$0x1E000] =	vst v63  }
0x36: {  	_ =	swait.ge [sflag:s16], $0x4000  }
0x37: {  	[sflag:s16] =	ssyncset.done $0x0  }
0x38: {  	[sflag:s16] =	ssyncadd.s32 $0xFFFFC000  }
0x39: {  	[bflag:$0x0] =	sbarrier.arrive $0xFFFF  }
0x3a: {  	_ =	strace $0x90000048  }
0x3b: {  	s0 =	simm.s32 $0x0;
	s1 =	simm.s32 $0x0;
	_ =	strace $0x80000049  }
.LBB2_4:
0x3c: {  	s8 =	sshll.u32 s1, $0xC  }
0x3d: {  	s8 =	sadd.s32 s11, s8  }
0x3e: {  	s8 =	sshrl.u32 s8, $0x3  }
0x3f: {  	s9 =	sadd.s32 s2, s8  }
0x40: {  	[tilespmem:s0], [sflag:$0x5] =	stream.linear.gather [hbm4b:s9+s0], $0x1000, $0x200038;
	[tilespmem:$0x1E000] =	vst v63  }
0x41: {  	_ =	swait.ge [sflag:s16], $0x1000  }
0x42: {  	[sflag:s16] =	ssyncset.done $0x0  }
0x43: {  	s8 =	sadd.s32 s6, s8;
	[sflag:s16] =	ssyncadd.s32 $0xFFFFF000  }
0x44: {  	[tilespmem:s17], [sflag:$0x5] =	stream.linear.gather [hbm4b:s8+s0], $0x1000, $0x200038;
	[tilespmem:$0x1E000] =	vst v63  }
0x45: {  	_ =	swait.ge [sflag:s16], $0x1000  }
0x46: {  	[sflag:s16] =	ssyncset.done $0x0  }
0x47: {  	[sflag:s16] =	ssyncadd.s32 $0xFFFFF000  }
0x48: {  	[tilespmem:s15], [sflag:$0x1] =	stream.indirect.gather [hbm4b:s5+s18], $0x80, s0, s18, $0x2000b8;
	[tilespmem:$0x1E000] =	vst v63  }
0x49: {  	_ = 	snop  }
0x4a: {  	[tilespmem:s19], [sflag:$0x2] =	stream.indirect.gather [hbm4b:s5+s18], $0x80, s18, s18, $0x2000b8;
	[tilespmem:$0x1E000] =	vst v63  }
0x4b: {  	_ =	swait.ge [sflag:s20], $0x2000  }
0x4c: {  	[sflag:s20] =	ssyncset.done $0x0  }
0x4d: {  	[sflag:s20] =	ssyncadd.s32 $0xFFFFE000  }
0x4e: {  	_ =	swait.ge [sflag:s21], $0x2000  }
0x4f: {  	[sflag:s21] =	ssyncset.done $0x0  }
0x50: {  	s9 =	simm.s32 $0x80;
	[sflag:s21] =	ssyncadd.s32 $0xFFFFE000  }
0x51: {  	[tilespmem:s22], [sflag:$0x3] =	stream.indirect.gather [hbm4b:s5+s18], $0x80, s9, s18, $0x2000b8;
	[tilespmem:$0x1E000] =	vst v63  }
0x52: {  	s10 =	simm.s32 $0xC0  }
0x53: {  	[tilespmem:s23], [sflag:$0x4] =	stream.indirect.gather [hbm4b:s5+s18], $0x80, s10, s18, $0x2000b8;
	[tilespmem:$0x1E000] =	vst v63  }
0x54: {  	s9 =	simm.s32 $0x1000  }
0x55: {  	[spmem:s3] =	stream.indirect.scatter.add.f32 [tilespmem:s15], [sflag:$0x5], $0x80, s9, s24, $0x2000b8;
	[tilespmem:$0x1E000] =	vst v63  }
0x56: {  	_ =	swait.ge [sflag:s16], $0x4000  }
0x57: {  	[sflag:s16] =	ssyncset.done $0x0  }
0x58: {  	[sflag:s16] =	ssyncadd.s32 $0xFFFFC000  }
0x59: {  	_ =	swait.ge [sflag:s25], $0x2000  }
0x5a: {  	[sflag:s25] =	ssyncset.done $0x0  }
0x5b: {  	[sflag:s25] =	ssyncadd.s32 $0xFFFFE000  }
0x5c: {  	_ =	swait.ge [sflag:s26], $0x2000  }
0x5d: {  	[sflag:s26] =	ssyncset.done $0x0  }
0x5e: {  	s10 =	simm.s32 $0x100;
	[sflag:s26] =	ssyncadd.s32 $0xFFFFE000  }
0x5f: {  	[tilespmem:s15], [sflag:$0x1] =	stream.indirect.gather [hbm4b:s5+s18], $0x80, s10, s18, $0x2000b8;
	[tilespmem:$0x1E000] =	vst v63  }
0x60: {  	s9 =	simm.s32 $0x140  }
0x61: {  	[tilespmem:s19], [sflag:$0x2] =	stream.indirect.gather [hbm4b:s5+s18], $0x80, s9, s18, $0x2000b8;
	[tilespmem:$0x1E000] =	vst v63  }
0x62: {  	s10 =	simm.s32 $0x1080  }
0x63: {  	[spmem:s3] =	stream.indirect.scatter.add.f32 [tilespmem:s22], [sflag:$0x5], $0x80, s10, s24, $0x2000b8;
	[tilespmem:$0x1E000] =	vst v63  }
0x64: {  	_ =	swait.ge [sflag:s16], $0x4000  }
0x65: {  	s8 =	simm.s32 $0x400;
	[sflag:s16] =	ssyncset.done $0x0  }
.LBB2_5:
0x66: {  	p1 =	sne.s32 s8, $0x3800  }
0x67: {  	[sflag:s16] =	ssyncadd.s32 $0xFFFFC000;
	s9 =	smov.u32 s8;
	s8 =	sadd.s32 $0x400, s8  }
0x68: {  	_ = 	snop  }
0x69: {  	_ =	swait.ge [sflag:s20], $0x2000  }
0x6a: {  	[sflag:s20] =	ssyncset.done $0x0  }
0x6b: {  	[sflag:s20] =	ssyncadd.s32 $0xFFFFE000  }
0x6c: {  	_ =	swait.ge [sflag:s21], $0x2000  }
0x6d: {  	s9 =	sshra.s32 s9, $0x2;
	[sflag:s21] =	ssyncset.done $0x0  }
0x6e: {  	s10 =	sadd.s32 $0x80, s9;
	[sflag:s21] =	ssyncadd.s32 $0xFFFFE000  }
0x6f: {  	[tilespmem:s22], [sflag:$0x3] =	stream.indirect.gather [hbm4b:s5+s18], $0x80, s10, s18, $0x2000b8;
	[tilespmem:$0x1E000] =	vst v63  }
0x70: {  	s10 =	sadd.s32 $0xC0, s9  }
0x71: {  	[tilespmem:s23], [sflag:$0x4] =	stream.indirect.gather [hbm4b:s5+s18], $0x80, s10, s18, $0x2000b8;
	[tilespmem:$0x1E000] =	vst v63  }
0x72: {  	s10 =	sadd.s32 $0x1000, s9  }
0x73: {  	[spmem:s3] =	stream.indirect.scatter.add.f32 [tilespmem:s15], [sflag:$0x5], $0x80, s10, s24, $0x2000b8;
	[tilespmem:$0x1E000] =	vst v63  }
0x74: {  	_ =	swait.ge [sflag:s16], $0x4000  }
0x75: {  	[sflag:s16] =	ssyncset.done $0x0  }
0x76: {  	[sflag:s16] =	ssyncadd.s32 $0xFFFFC000  }
0x77: {  	_ =	swait.ge [sflag:s25], $0x2000  }
0x78: {  	[sflag:s25] =	ssyncset.done $0x0  }
0x79: {  	[sflag:s25] =	ssyncadd.s32 $0xFFFFE000  }
0x7a: {  	_ =	swait.ge [sflag:s26], $0x2000  }
0x7b: {  	[sflag:s26] =	ssyncset.done $0x0  }
0x7c: {  	s10 =	sadd.s32 $0x100, s9;
	[sflag:s26] =	ssyncadd.s32 $0xFFFFE000  }
0x7d: {  	[tilespmem:s15], [sflag:$0x1] =	stream.indirect.gather [hbm4b:s5+s18], $0x80, s10, s18, $0x2000b8;
	[tilespmem:$0x1E000] =	vst v63  }
0x7e: {  	s10 =	sadd.s32 $0x140, s9  }
0x7f: {  	[tilespmem:s19], [sflag:$0x2] =	stream.indirect.gather [hbm4b:s5+s18], $0x80, s10, s18, $0x2000b8;
	[tilespmem:$0x1E000] =	vst v63  }
.Ltmp1:
0x80: {  	_ = 	snop;
	(pc) =	sbr.rel @p1 .LBB2_5-.Ltmp1, $4  }
0x81: {  	s9 =	sadd.s32 $0x1080, s9  }
0x82: {  	[spmem:s3] =	stream.indirect.scatter.add.f32 [tilespmem:s22], [sflag:$0x5], $0x80, s9, s24, $0x2000b8;
	[tilespmem:$0x1E000] =	vst v63  }
0x83: {  	_ =	swait.ge [sflag:s16], $0x4000  }
0x84: {  	[sflag:s16] =	ssyncset.done $0x0  }
0x85: {  	[sflag:s16] =	ssyncadd.s32 $0xFFFFC000  }
0x86: {  	_ =	swait.ge [sflag:s20], $0x2000  }
0x87: {  	[sflag:s20] =	ssyncset.done $0x0  }
0x88: {  	[sflag:s20] =	ssyncadd.s32 $0xFFFFE000  }
0x89: {  	_ =	swait.ge [sflag:s21], $0x2000  }
0x8a: {  	[sflag:s21] =	ssyncset.done $0x0  }
0x8b: {  	[sflag:s21] =	ssyncadd.s32 $0xFFFFE000  }
0x8c: {  	[tilespmem:s22], [sflag:$0x3] =	stream.indirect.gather [hbm4b:s5+s18], $0x80, s28, s18, $0x2000b8;
	[tilespmem:$0x1E000] =	vst v63  }
0x8d: {  	_ = 	snop  }
0x8e: {  	[tilespmem:s23], [sflag:$0x4] =	stream.indirect.gather [hbm4b:s5+s18], $0x80, s29, s18, $0x2000b8;
	[tilespmem:$0x1E000] =	vst v63  }
0x8f: {  	_ = 	snop  }
0x90: {  	[spmem:s3] =	stream.indirect.scatter.add.f32 [tilespmem:s15], [sflag:$0x5], $0x80, s30, s24, $0x2000b8;
	[tilespmem:$0x1E000] =	vst v63  }
0x91: {  	_ =	swait.ge [sflag:s16], $0x4000  }
0x92: {  	[sflag:s16] =	ssyncset.done $0x0  }
0x93: {  	[sflag:s16] =	ssyncadd.s32 $0xFFFFC000  }
0x94: {  	_ =	swait.ge [sflag:s25], $0x2000  }
0x95: {  	[sflag:s25] =	ssyncset.done $0x0  }
0x96: {  	[sflag:s25] =	ssyncadd.s32 $0xFFFFE000  }
0x97: {  	_ =	swait.ge [sflag:s26], $0x2000  }
0x98: {  	[sflag:s26] =	ssyncset.done $0x0  }
0x99: {  	[sflag:s26] =	ssyncadd.s32 $0xFFFFE000  }
0x9a: {  	[tilespmem:s15], [sflag:$0x1] =	stream.indirect.gather [hbm4b:s5+s18], $0x80, s28, s18, $0x2000b8;
	[tilespmem:$0x1E000] =	vst v63  }
0x9b: {  	_ = 	snop  }
0x9c: {  	[tilespmem:s19], [sflag:$0x2] =	stream.indirect.gather [hbm4b:s5+s18], $0x80, s29, s18, $0x2000b8;
	[tilespmem:$0x1E000] =	vst v63  }
0x9d: {  	_ = 	snop  }
0x9e: {  	[spmem:s3] =	stream.indirect.scatter.add.f32 [tilespmem:s22], [sflag:$0x5], $0x80, s31, s24, $0x2000b8;
	[tilespmem:$0x1E000] =	vst v63  }
0x9f: {  	_ =	swait.ge [sflag:s16], $0x4000  }
0xa0: {  	[sflag:s16] =	ssyncset.done $0x0  }
0xa1: {  	p1 =	slt.u32 @!p0 s1, $0x3;
	[sflag:s16] =	ssyncadd.s32 $0xFFFFC000  }
0xa2: {  	p1 =	por p0, !p1;
	_ =	swait.ge [sflag:s20], $0x2000  }
.Ltmp2:
0xa3: {  	[sflag:s20] =	ssyncset.done $0x0;
	(pc) =	sbr.rel @!p1 .LBB2_4-.Ltmp2, $4  }
0xa4: {  	[sflag:s20] =	ssyncadd.s32 $0xFFFFE000  }
0xa5: {  	_ =	swait.ge [sflag:s21], $0x2000  }
0xa6: {  	[sflag:s21] =	ssyncset.done $0x0  }
0xa7: {  	s1 =	sadd.s32 $0x1, s1;
	[sflag:s21] =	ssyncadd.s32 $0xFFFFE000  }
0xa8: {  	_ =	strace $0x90000049;
	s0 =	stileid.u32;
	s1 =	sshrl.u32 s7, $0x3  }
0xa9: {  	s4 =	sadd.s32 $0x1, s4;
	_ =	strace $0x8000004A;
	s0 =	sshll.u32 s0, $0x6  }
0xaa: {  	p1 =	sne.s32 s4, s14;
	[bflag:$0x0] =	sbarrier.arrive $0xFFFF;
	s0 =	sor.u32 $0x1C05, s0  }
0xab: {  	[hbm:s13], [sflag:s0] =	dma.local [spmem:s1], $0x2800  }
.Ltmp3:
0xac: {  	_ = 	snop;
	(pc) =	sbr.rel @p1 .LBB2_1-.Ltmp3, $4  }
0xad: {  	_ =	swait.ge [sflag:s16], $0x2800  }
0xae: {  	[sflag:s16] =	ssyncset.done $0x0  }
0xaf: {  	[sflag:s16] =	ssyncadd.s32 $0xFFFFD800  }
0xb0: {  	_ =	strace $0x9000004A  }
0xb1: {  	_ =	sfence.sel $0x180000  }
0xb2: {  	[bflag:$0x0] =	sbarrier.arrive $0xFFFF  }
0xb3: {  	_ =	strace $0x90000047  }
0xb4: {  	s0 =	stileid.u32;
	[bflag:$0x2] =	sbarrier.arrive $0xFFFF  }
0xb5: {  	p0 =	sne.s32 s0, $0x0;
	s0 =	rddreg [dreg:$0x3]  }
0xb6: {  	s0 =	sadd.s32 @!p0 $0x100000, s0  }
0xb7: {  	[sflag:s0] =	ssyncadd.tile.s32 @!p0 $0x1;
	_ =	shalt  }
.Lfunc_end2:
_tile_overlayer_lowered:
.L_overlay_start_2:
0xb8: {  	(tag) =	ssettag $0x2  }
0xb9: {  	s0 =	rddreg [dreg:$0x0];
	s2 =	stileid.u32  }
0xba: {  	s1 =	rddreg [dreg:$0x1];
	p0 =	sne.s32 s2, $0x0  }
0xbb: {  	s3 =	rddreg [dreg:$0x2];
	[bflag:$0x3] =	sbarrier.arrive $0xFFFF;
	s2 =	simm.s32 @!p0 $0x1C05  }
0xbc: {  	[timem:s3], [sflag:s2] =	dma.local @!p0 [hbm:s0], s1  }
0xbd: {  	s0 =	simm.s32 @!p0 $0x5  }
0xbe: {  	_ =	swait.ge @!p0 [sflag:s0], s1  }
0xbf: {  	s1 =	ssub.s32 @!p0 $0x0, s1;
	[sflag:s0] =	ssyncset.done @!p0 $0x0  }
0xc0: {  	[sflag:s0] =	ssyncadd.s32 @!p0 s1  }
0xc1: {  	[bflag:$0x3] =	sbarrier.arrive $0xFFFF  }
0xc2: {  	_ =	shalt  }

</sc_bundles>
